<compile_context>
chip_gen: v7x
topology: tpu7x:2x2x1
jax: 0.10.2.dev20260603
libtpu: 0.0.44.dev20260713+nightly
codegen_flags: <defaults>
</compile_context>

<pallas_src>
import dataclasses

import jax
import jax.numpy as jnp
from jax import lax
from jax.experimental import pallas as pl
from jax.experimental.pallas import tpu as pltpu
from jax.experimental.pallas import tpu_sc as plsc

N = 10000
E = 320000
D = 128
EA = 16
EPS = 1e-5

NC = 2
NS = 16
NW = NC * NS
EPW = E // NW
CH = 80
KJ = EPW // CH

BE = 4000
HI = lax.Precision.HIGHEST
F32 = jnp.float32



def _sc_compiler_params():
    cp = pltpu.CompilerParams()
    if "needs_layout_passes" in pltpu.CompilerParams.__dataclass_fields__:
        cp = dataclasses.replace(cp, needs_layout_passes=False)
    return cp


def _zero_hist(hist_v):
    z = jnp.zeros((16,), F32)

    @pl.loop(0, N, step=16)
    def _(i):
        hist_v[pl.ds(i, 16)] = z


def _hist_add(hist_v, idx_v, j):
    one = jnp.ones((16,), F32)
    for k in range(CH // 16):
        iv = idx_v[j, pl.ds(k * 16, 16)]
        plsc.addupdate_scatter(hist_v, [iv], one)


def _sc_gather_body(x_hbm, row3_hbm, xe_hbm, degp_hbm,
                    idx_v, rows_v, hist_v, sem):
    cid = lax.axis_index("c")
    sid = lax.axis_index("s")
    wid = sid * NC + cid

    pltpu.sync_copy(row3_hbm.at[wid], idx_v)
    _zero_hist(hist_v)
    base = wid * EPW

    @pl.loop(0, KJ)
    def _(j):
        pltpu.async_copy(x_hbm.at[idx_v.at[j]], rows_v, sem).wait()
        pltpu.sync_copy(rows_v, xe_hbm.at[pl.ds(base + j * CH, CH)])
        _hist_add(hist_v, idx_v, j)

    pltpu.sync_copy(hist_v, degp_hbm.at[wid])


def _sc_gather(x, row3):
    mesh = plsc.VectorSubcoreMesh(core_axis_name="c", subcore_axis_name="s")
    f = pl.kernel(
        _sc_gather_body,
        mesh=mesh,
        out_type=[jax.ShapeDtypeStruct((E, D), F32),
                  jax.ShapeDtypeStruct((NW, N), F32)],
        scratch_types=[pltpu.VMEM((KJ, CH), jnp.int32),
                       pltpu.VMEM((CH, D), F32),
                       pltpu.VMEM((N,), F32),
                       pltpu.SemaphoreType.DMA],
        compiler_params=_sc_compiler_params(),
    )
    return f(x, row3)


def _sc_scatter_body(a2_hbm, col3_hbm, z128_hbm, sp_hbm, cntp_hbm,
                     idx_v, idx1_v, data_v, hist_v, acc_sh, sem):
    cid = lax.axis_index("c")
    sid = lax.axis_index("s")
    wid = sid * NC + cid

    @pl.when(sid == 0)
    def _():
        pltpu.sync_copy(z128_hbm, acc_sh)

    plsc.subcore_barrier()

    pltpu.sync_copy(col3_hbm.at[wid], idx_v)
    _zero_hist(hist_v)
    base = wid * EPW

    @pl.loop(0, KJ)
    def _(j):
        for k in range(CH // 16):
            idx1_v[pl.ds(k * 16, 16)] = idx_v[j, pl.ds(k * 16, 16)]
        pltpu.async_copy(a2_hbm.at[pl.ds(base + j * CH, CH)], data_v,
                         sem).wait()
        pltpu.sync_copy(data_v, acc_sh.at[idx1_v], add=True)
        _hist_add(hist_v, idx_v, j)

    pltpu.sync_copy(hist_v, cntp_hbm.at[wid])
    plsc.subcore_barrier()

    @pl.when(sid < 10)
    def _():
        r0 = sid * 1000
        pltpu.sync_copy(acc_sh.at[pl.ds(r0, 1000)],
                        sp_hbm.at[pl.ds(cid * N + r0, 1000)])


def _sc_scatter(a2, col3, z128):
    mesh = plsc.VectorSubcoreMesh(core_axis_name="c", subcore_axis_name="s")
    f = pl.kernel(
        _sc_scatter_body,
        mesh=mesh,
        out_type=[jax.ShapeDtypeStruct((NC * N, D), F32),
                  jax.ShapeDtypeStruct((NW, N), F32)],
        scratch_types=[pltpu.VMEM((KJ, CH), jnp.int32),
                       pltpu.VMEM((CH,), jnp.int32),
                       pltpu.VMEM((CH, D), F32),
                       pltpu.VMEM((N,), F32),
                       pltpu.VMEM_SHARED((N, D), F32),
                       pltpu.SemaphoreType.DMA],
        compiler_params=_sc_compiler_params(),
    )
    return f(a2, col3, z128)



def _ea_stats_body(ea_ref, o_ref):
    i = pl.program_id(0)

    @pl.when(i == 0)
    def _():
        o_ref[...] = jnp.zeros_like(o_ref)

    blk = ea_ref[...]
    s = jnp.sum(blk, axis=0, keepdims=True)
    sq = jnp.sum(blk * blk, axis=0, keepdims=True)
    o_ref[...] += jnp.concatenate([s, sq], axis=0)


def _prep_body(x_ref, deg_ref, o_ref):
    xb = x_ref[...]
    deg = deg_ref[...]
    wx = xb * deg
    r0 = jnp.sum(wx, axis=0, keepdims=True)
    r1 = jnp.sum(wx * xb, axis=0, keepdims=True)
    r2 = jnp.sum(xb, axis=0, keepdims=True)
    r3 = jnp.sum(xb * xb, axis=0, keepdims=True)
    o_ref[...] = jnp.concatenate([r0, r1, r2, r3], axis=0)


def _p2_body(xe_ref, ea_ref, w0x_ref, w0e_ref, b0_ref, a1_ref, st_ref):
    i = pl.program_id(0)

    @pl.when(i == 0)
    def _():
        st_ref[...] = jnp.zeros_like(st_ref)

    acc = jnp.dot(xe_ref[...], w0x_ref[...],
                  preferred_element_type=F32, precision=lax.Precision.HIGHEST)
    acc += jnp.dot(ea_ref[...], w0e_ref[...],
                   preferred_element_type=F32, precision=lax.Precision.HIGHEST)
    a1 = jnp.maximum(acc + b0_ref[...], 0.0)
    a1_ref[...] = a1
    s = jnp.sum(a1, axis=0, keepdims=True)
    sq = jnp.sum(a1 * a1, axis=0, keepdims=True)
    st_ref[...] += jnp.concatenate([s, sq], axis=0)


def _p3_body(a1_ref, w1_ref, b1_ref, a2_ref, st_ref):
    i = pl.program_id(0)

    @pl.when(i == 0)
    def _():
        st_ref[...] = jnp.zeros_like(st_ref)

    a2 = jnp.maximum(
        jnp.dot(a1_ref[...], w1_ref[...], preferred_element_type=F32,
                precision=lax.Precision.HIGHEST)
        + b1_ref[...], 0.0)
    a2_ref[...] = a2
    s = jnp.sum(a2, axis=0, keepdims=True)
    sq = jnp.sum(a2 * a2, axis=0, keepdims=True)
    st_ref[...] += jnp.concatenate([s, sq], axis=0)


def _k5_body(sp_ref, cnt_ref, w2_ref, b2_ref, mean_ref, stm_ref):
    sp = sp_ref[...]
    s = sp[0] + sp[1]
    cnt = cnt_ref[...]
    ssum = jnp.dot(s, w2_ref[...], preferred_element_type=F32,
                   precision=HI) + cnt * b2_ref[...]
    mean = ssum / jnp.maximum(cnt, 1.0)
    mean_ref[...] = mean
    ms = jnp.sum(mean, axis=0, keepdims=True)
    msq = jnp.sum(mean * mean, axis=0, keepdims=True)
    stm_ref[...] = jnp.concatenate([ms, msq], axis=0)


def _k6_body(x_ref, mean_ref, w20x_ref, w20m_ref, b20_ref,
             w21_ref, b21_ref, g21_ref, be21_ref,
             w22_ref, b22_ref, g22_ref, be22_ref, o_ref):
    a = jnp.dot(x_ref[...], w20x_ref[...], preferred_element_type=F32,
                precision=HI)
    a += jnp.dot(mean_ref[...], w20m_ref[...], preferred_element_type=F32,
                 precision=HI)
    a = jnp.maximum(a + b20_ref[...], 0.0)

    m = jnp.mean(a, axis=0, keepdims=True)
    v = jnp.mean((a - m) ** 2, axis=0, keepdims=True)
    hn = (a - m) / jnp.sqrt(v + EPS) * g21_ref[...] + be21_ref[...]
    a = jnp.maximum(
        jnp.dot(hn, w21_ref[...], preferred_element_type=F32, precision=HI)
        + b21_ref[...], 0.0)

    m = jnp.mean(a, axis=0, keepdims=True)
    v = jnp.mean((a - m) ** 2, axis=0, keepdims=True)
    hn = (a - m) / jnp.sqrt(v + EPS) * g22_ref[...] + be22_ref[...]
    o_ref[...] = (
        jnp.dot(hn, w22_ref[...], preferred_element_type=F32, precision=HI)
        + b22_ref[...])



def _full(shape):
    return pl.BlockSpec(shape, lambda i: tuple(0 for _ in shape))


def _ea_stats(ea):
    grid = (E // 8000,)
    return pl.pallas_call(
        _ea_stats_body,
        grid=grid,
        in_specs=[pl.BlockSpec((8000, EA), lambda i: (i, 0))],
        out_specs=pl.BlockSpec((2, EA), lambda i: (0, 0)),
        out_shape=jax.ShapeDtypeStruct((2, EA), F32),
    )(ea)


def _prep(x, deg_col):
    return pl.pallas_call(
        _prep_body,
        in_specs=[pl.BlockSpec((N, D), lambda: (0, 0)),
                  pl.BlockSpec((N, 1), lambda: (0, 0))],
        out_specs=pl.BlockSpec((4, D), lambda: (0, 0)),
        out_shape=jax.ShapeDtypeStruct((4, D), F32),
    )(x, deg_col)


def _p2(xe, ea, w0x, w0e, b0):
    grid = (E // BE,)
    return pl.pallas_call(
        _p2_body,
        grid=grid,
        in_specs=[pl.BlockSpec((BE, D), lambda i: (i, 0)),
                  pl.BlockSpec((BE, EA), lambda i: (i, 0)),
                  pl.BlockSpec((D, D), lambda i: (0, 0)),
                  pl.BlockSpec((EA, D), lambda i: (0, 0)),
                  pl.BlockSpec((1, D), lambda i: (0, 0))],
        out_specs=[pl.BlockSpec((BE, D), lambda i: (i, 0)),
                   pl.BlockSpec((2, D), lambda i: (0, 0))],
        out_shape=[jax.ShapeDtypeStruct((E, D), F32),
                   jax.ShapeDtypeStruct((2, D), F32)],
    )(xe, ea, w0x, w0e, b0)


def _p3(a1, w1, b1):
    grid = (E // BE,)
    return pl.pallas_call(
        _p3_body,
        grid=grid,
        in_specs=[pl.BlockSpec((BE, D), lambda i: (i, 0)),
                  pl.BlockSpec((D, D), lambda i: (0, 0)),
                  pl.BlockSpec((1, D), lambda i: (0, 0))],
        out_specs=[pl.BlockSpec((BE, D), lambda i: (i, 0)),
                   pl.BlockSpec((2, D), lambda i: (0, 0))],
        out_shape=[jax.ShapeDtypeStruct((E, D), F32),
                   jax.ShapeDtypeStruct((2, D), F32)],
    )(a1, w1, b1)


def _k5(sp, cnt_col, w2, b2):
    return pl.pallas_call(
        _k5_body,
        in_specs=[pl.BlockSpec((NC, N, D), lambda: (0, 0, 0)),
                  pl.BlockSpec((N, 1), lambda: (0, 0)),
                  pl.BlockSpec((D, D), lambda: (0, 0)),
                  pl.BlockSpec((1, D), lambda: (0, 0))],
        out_specs=[pl.BlockSpec((N, D), lambda: (0, 0)),
                   pl.BlockSpec((2, D), lambda: (0, 0))],
        out_shape=[jax.ShapeDtypeStruct((N, D), F32),
                   jax.ShapeDtypeStruct((2, D), F32)],
    )(sp, cnt_col, w2, b2)


def _k6(x, mean, w20x, w20m, b20, w21, b21, g21, be21, w22, b22, g22, be22):
    vec = pl.BlockSpec((1, D), lambda: (0, 0))
    mat = pl.BlockSpec((D, D), lambda: (0, 0))
    return pl.pallas_call(
        _k6_body,
        in_specs=[pl.BlockSpec((N, D), lambda: (0, 0)),
                  pl.BlockSpec((N, D), lambda: (0, 0)),
                  mat, mat, vec, mat, vec, vec, vec, mat, vec, vec, vec],
        out_specs=pl.BlockSpec((N, D), lambda: (0, 0)),
        out_shape=jax.ShapeDtypeStruct((N, D), F32),
    )(x, mean, w20x, w20m, b20, w21, b21, g21, be21, w22, b22, g22, be22)



def _fold(m, v, g, be, W, b):
    s = g / jnp.sqrt(v + EPS)
    t = be - m * s
    return s[:, None] * W, (t @ W + b)[None, :]


def kernel(x, edge_index, edge_attr, u, batch, params):
    del u, batch
    p = params
    row3 = edge_index[0].reshape(NW, KJ, CH)
    col3 = edge_index[1].reshape(NW, KJ, CH)
    z128 = jnp.zeros((N, D), F32)

    xe, degp = _sc_gather(x, row3)
    deg_col = jnp.sum(degp, axis=0)[:, None]

    east = _ea_stats(edge_attr)
    pst = _prep(x, deg_col)

    m0 = jnp.concatenate([pst[0] / E, east[0] / E])
    v0 = jnp.concatenate([pst[1] / E - (pst[0] / E) ** 2,
                          east[1] / E - (east[0] / E) ** 2])
    W0f, b0f = _fold(m0, v0, p['m1_g0'], p['m1_be0'], p['m1_W0'], p['m1_b0'])
    w0x = W0f[:D]
    w0e = W0f[D:]

    a1, st1 = _p2(xe, edge_attr, w0x, w0e, b0f)

    m1 = st1[0] / E
    v1 = st1[1] / E - m1 * m1
    W1f, b1f = _fold(m1, v1, p['m1_g1'], p['m1_be1'], p['m1_W1'], p['m1_b1'])
    a2, st2 = _p3(a1, W1f, b1f)

    m2 = st2[0] / E
    v2 = st2[1] / E - m2 * m2
    W2f, b2f = _fold(m2, v2, p['m1_g2'], p['m1_be2'], p['m1_W2'], p['m1_b2'])

    sp, cntp = _sc_scatter(a2, col3, z128)
    sp = sp.reshape(NC, N, D)
    cnt_col = jnp.sum(cntp, axis=0)[:, None]

    mean, stm = _k5(sp, cnt_col, W2f, b2f)

    mh = jnp.concatenate([pst[2] / N, stm[0] / N])
    vh = jnp.concatenate([pst[3] / N - (pst[2] / N) ** 2,
                          stm[1] / N - (stm[0] / N) ** 2])
    W20f, b20f = _fold(mh, vh, p['m2_g0'], p['m2_be0'], p['m2_W0'],
                       p['m2_b0'])

    return _k6(x, mean, W20f[:D], W20f[D:], b20f,
               p['m2_W1'], p['m2_b1'][None, :], p['m2_g1'][None, :],
               p['m2_be1'][None, :],
               p['m2_W2'], p['m2_b2'][None, :], p['m2_g2'][None, :],
               p['m2_be2'][None, :])

# --- scband reference (transcript-rebuilt; emitter-appended) ---
"""Pipeline reference for scband-node-layer-40587440947262 (READ-ONLY COPY).

The authoritative reference and input builder live on the scoring server;
editing this copy changes nothing except your own understanding.
"""

import jax, jax.numpy as jnp
import numpy as np

N = 10000
E = 320000
NODE_IN = 128
NODE_OUT = 128
EDGE_IN = 16
EPS = 1e-5
SLOPE = 0.0


def _init_linear(key, fan_in, fan_out):
    k1, k2 = jax.random.split(key)
    bound = 1.0 / np.sqrt(fan_in)
    W = jax.random.uniform(k1, (fan_in, fan_out), minval=-bound, maxval=bound, dtype=jnp.float32)
    b = jax.random.uniform(k2, (fan_out,), minval=-bound, maxval=bound, dtype=jnp.float32)
    return W, b


def _make_params(key):
    ks = jax.random.split(key, 6)
    p = {}
    dims1 = [(NODE_IN + EDGE_IN, NODE_OUT), (NODE_OUT, NODE_OUT), (NODE_OUT, NODE_OUT)]
    dims2 = [(NODE_IN + NODE_OUT, NODE_OUT), (NODE_OUT, NODE_OUT), (NODE_OUT, NODE_OUT)]
    for i, (fi, fo) in enumerate(dims1):
        W, b = _init_linear(ks[i], fi, fo)
        p['m1_W%d' % i] = W
        p['m1_b%d' % i] = b
        p['m1_g%d' % i] = jnp.ones((fi,), jnp.float32)
        p['m1_be%d' % i] = jnp.zeros((fi,), jnp.float32)
    for i, (fi, fo) in enumerate(dims2):
        W, b = _init_linear(ks[3 + i], fi, fo)
        p['m2_W%d' % i] = W
        p['m2_b%d' % i] = b
        p['m2_g%d' % i] = jnp.ones((fi,), jnp.float32)
        p['m2_be%d' % i] = jnp.zeros((fi,), jnp.float32)
    return p


def _bn(x, g, b):
    # torch BatchNorm1d in training mode: batch statistics, biased variance
    m = jnp.mean(x, axis=0)
    v = jnp.var(x, axis=0)
    return (x - m) / jnp.sqrt(v + EPS) * g + b


def _lrelu(x):
    return jnp.where(x >= 0, x, SLOPE * x)


def _mlp(x, p, pre):
    for i in range(3):
        x = _bn(x, p['%s_g%d' % (pre, i)], p['%s_be%d' % (pre, i)])
        x = x @ p['%s_W%d' % (pre, i)] + p['%s_b%d' % (pre, i)]
        if i < 2:
            x = _lrelu(x)
    return x


def setup_inputs(seed: int = 0) -> dict:
    key = jax.random.key(seed)
    ks = jax.random.split(key, 8)
    x = jax.random.normal(ks[0], (N, NODE_IN), dtype=jnp.float32)
    edge_index = jax.random.randint(ks[1], (2, E), 0, N, dtype=jnp.int32)
    edge_attr = jax.random.normal(ks[2], (E, EDGE_IN), dtype=jnp.float32)
    u = jax.random.normal(ks[3], (1, NODE_IN), dtype=jnp.float32)
    batch = jnp.zeros((N,), dtype=jnp.int32)
    params = _make_params(ks[4])
    return {'x': x, 'edge_index': edge_index, 'edge_attr': edge_attr, 'u': u, 'batch': batch, 'params': params}


def reference(x, edge_index, edge_attr, u, batch, params):
    # u and batch are unused by the original forward
    row = edge_index[0]
    col = edge_index[1]
    out = jnp.concatenate([jnp.take(x, row, axis=0), edge_attr], axis=1)
    out = _mlp(out, params, 'm1')
    s = jax.ops.segment_sum(out, col, num_segments=N)
    cnt = jax.ops.segment_sum(jnp.ones((E,), jnp.float32), col, num_segments=N)
    mean = s / jnp.clip(cnt, 1.0)[:, None]  # scatter_mean with dim_size=N
    out = jnp.concatenate([x, mean], axis=1)
    return _mlp(out, params, 'm2')

if __name__ == "__main__":
    import jax
    _d = setup_inputs()
    print(jax.jit(kernel)(*tuple(_d.values())))

</pallas_src>

<mosaic_0001>
#map = affine_map<(d0, d1) -> (0, 0)>
#map1 = affine_map<(d0, d1) -> (0, 0, 0)>
module attributes {stable_mosaic.version = 14 : i64} {
  func.func @_sc_gather_body(%arg0: i32, %arg1: i32, %arg2: memref<10000x128xf32, #tpu.memory_space<hbm>>, %arg3: memref<32x125x80xi32, #tpu.memory_space<hbm>>, %arg4: memref<320000x128xf32, #tpu.memory_space<hbm>>, %arg5: memref<32x10000xf32, #tpu.memory_space<hbm>>, %arg6: memref<125x80xi32, #tpu.memory_space<vmem>>, %arg7: memref<80x128xf32, #tpu.memory_space<vmem>>, %arg8: memref<10000xf32, #tpu.memory_space<vmem>>, %arg9: memref<!tpu.dma_semaphore, #tpu.memory_space<semaphore_mem>>) attributes {dimension_semantics = [#tpu.dimension_semantics<core_parallel>, #tpu.dimension_semantics<subcore_parallel>], iteration_bounds = array<i64: 2, 16>, scalar_prefetch = 0 : i64, scratch_operands = 4 : i64, tpu.core_type = #tpu.core_type<sc_vector_subcore>, window_params = [{transform_indices = #map}, {transform_indices = #map1}, {transform_indices = #map}, {transform_indices = #map}]} {
    %mul3A = arith.constant 2 : i32
    %mul3A_0 = arith.muli %arg1, %mul3A : i32
    %add3A = arith.addi %mul3A_0, %arg0 : i32
    "tpu.region"() ({
      %run_scoped3A = tpu.sem_alloc : memref<!tpu.dma_semaphore, #tpu.memory_space<semaphore_mem>>
      %dma_start3A = arith.constant 0 : i32
      %dma_start3A_13 = arith.constant 0 : i32
      %dma_start3A_14 = tpu.memref_slice %arg3[%add3A, %dma_start3A, %dma_start3A_13] : memref<32x125x80xi32, #tpu.memory_space<hbm>> -> memref<1x125x80xi32, #tpu.memory_space<hbm>>
      %dma_start3A_15 = tpu.memref_squeeze %dma_start3A_14 : memref<1x125x80xi32, #tpu.memory_space<hbm>> -> memref<125x80xi32, #tpu.memory_space<hbm>>
      %dma_start3A_16 = arith.constant 0 : i32
      %dma_start3A_17 = arith.constant 0 : i32
      %dma_start3A_18 = tpu.memref_slice %arg3[%add3A, %dma_start3A_16, %dma_start3A_17] : memref<32x125x80xi32, #tpu.memory_space<hbm>> -> memref<1x125x80xi32, #tpu.memory_space<hbm>>
      %dma_start3A_19 = tpu.memref_squeeze %dma_start3A_18 : memref<1x125x80xi32, #tpu.memory_space<hbm>> -> memref<125x80xi32, #tpu.memory_space<hbm>>
      tpu.enqueue_dma source(%dma_start3A_19 : memref<125x80xi32, #tpu.memory_space<hbm>>) target(%arg6 : memref<125x80xi32, #tpu.memory_space<vmem>>) target_semaphore(%run_scoped3A : memref<!tpu.dma_semaphore, #tpu.memory_space<semaphore_mem>>)
      %dma_wait3A = arith.constant 0 : i32
      %dma_wait3A_20 = arith.constant 0 : i32
      %dma_wait3A_21 = tpu.memref_slice %arg3[%add3A, %dma_wait3A, %dma_wait3A_20] : memref<32x125x80xi32, #tpu.memory_space<hbm>> -> memref<1x125x80xi32, #tpu.memory_space<hbm>>
      %dma_wait3A_22 = tpu.memref_squeeze %dma_wait3A_21 : memref<1x125x80xi32, #tpu.memory_space<hbm>> -> memref<125x80xi32, #tpu.memory_space<hbm>>
      %dma_wait3A_23 = arith.constant 0 : i32
      %dma_wait3A_24 = arith.constant 0 : i32
      %dma_wait3A_25 = tpu.memref_slice %arg3[%add3A, %dma_wait3A_23, %dma_wait3A_24] : memref<32x125x80xi32, #tpu.memory_space<hbm>> -> memref<1x125x80xi32, #tpu.memory_space<hbm>>
      %dma_wait3A_26 = tpu.memref_squeeze %dma_wait3A_25 : memref<1x125x80xi32, #tpu.memory_space<hbm>> -> memref<125x80xi32, #tpu.memory_space<hbm>>
      tpu.wait_dma2 semaphore(%run_scoped3A : memref<!tpu.dma_semaphore, #tpu.memory_space<semaphore_mem>>) src(%dma_wait3A_26 : memref<125x80xi32, #tpu.memory_space<hbm>>) dst(%arg6 : memref<125x80xi32, #tpu.memory_space<vmem>>)
      tpu.yield
    }) : () -> ()
    %broadcast_in_dim3A = arith.constant 0.000000e+00 : f32
    %broadcast_in_dim3A_1 = vector.broadcast %broadcast_in_dim3A : f32 to vector<16xf32>
    %scan3A = arith.constant 0 : i32
    %scan3A_2 = arith.constant 625 : i32
    %scan3A_3 = arith.addi %scan3A, %scan3A_2 : i32
    %scan3A_4 = arith.constant 1 : i32
    scf.for %scan3A_13 = %scan3A to %scan3A_3 step %scan3A_4  : i32 {
      %mul3A_14 = arith.constant 16 : i32
      %mul3A_15 = arith.muli %scan3A_13, %mul3A_14 : i32
      %add3A_16 = arith.constant 0 : i32
      %add3A_17 = arith.addi %add3A_16, %mul3A_15 : i32
      %swap3A = arith.index_cast %add3A_17 : i32 to index
      %swap3A_18 = tpu.vector_load %arg8[%swap3A] {strides = array<i32>} : memref<10000xf32, #tpu.memory_space<vmem>>, vector<16xf32>,
      tpu.vector_store %arg8[%swap3A], %broadcast_in_dim3A_1 {strides = array<i32>} : memref<10000xf32, #tpu.memory_space<vmem>>, vector<16xf32>,
    }
    %scan3A_5 = arith.constant 625 : i32
    %mul3A_6 = arith.constant 10000 : i32
    %mul3A_7 = arith.muli %add3A, %mul3A_6 : i32
    %scan3A_8 = arith.constant 0 : i32
    %scan3A_9 = arith.constant 125 : i32
    %scan3A_10 = arith.addi %scan3A_8, %scan3A_9 : i32
    %scan3A_11 = arith.constant 1 : i32
    scf.for %scan3A_13 = %scan3A_8 to %scan3A_10 step %scan3A_11  : i32 {
      %mul3A_14 = arith.constant 1 : i32
      %mul3A_15 = arith.muli %scan3A_13, %mul3A_14 : i32
      %add3A_16 = arith.constant 0 : i32
      %add3A_17 = arith.addi %add3A_16, %mul3A_15 : i32
      %dma_start3A = arith.constant 0 : i32
      %dma_start3A_18 = tpu.memref_slice %arg6[%add3A_17, %dma_start3A] : memref<125x80xi32, #tpu.memory_space<vmem>> -> memref<1x80xi32, #tpu.memory_space<vmem>>
      %dma_start3A_19 = tpu.memref_squeeze %dma_start3A_18 : memref<1x80xi32, #tpu.memory_space<vmem>> -> memref<80xi32, #tpu.memory_space<vmem>>
      %dma_start3A_20 = arith.constant 0 : i32
      %dma_start3A_21 = arith.constant 0 : i32
      %dma_start3A_22 = tpu.memref_slice %arg2[%dma_start3A_20, %dma_start3A_21] : memref<10000x128xf32, #tpu.memory_space<hbm>> -> memref<10000x128xf32, #tpu.memory_space<hbm>>
      tpu.enqueue_indirect_dma source(%dma_start3A_22 : memref<10000x128xf32, #tpu.memory_space<hbm>>) target(%arg7 : memref<80x128xf32, #tpu.memory_space<vmem>>) offsets(%dma_start3A_19 : memref<80xi32, #tpu.memory_space<vmem>>) semaphore(%arg9 : memref<!tpu.dma_semaphore, #tpu.memory_space<semaphore_mem>>)
      %dma_wait3A = arith.constant 0 : i32
      %dma_wait3A_23 = tpu.memref_slice %arg6[%add3A_17, %dma_wait3A] : memref<125x80xi32, #tpu.memory_space<vmem>> -> memref<1x80xi32, #tpu.memory_space<vmem>>
      %dma_wait3A_24 = tpu.memref_squeeze %dma_wait3A_23 : memref<1x80xi32, #tpu.memory_space<vmem>> -> memref<80xi32, #tpu.memory_space<vmem>>
      %dma_wait3A_25 = arith.constant 0 : i32
      %dma_wait3A_26 = arith.constant 0 : i32
      %dma_wait3A_27 = tpu.memref_slice %arg2[%dma_wait3A_25, %dma_wait3A_26] : memref<10000x128xf32, #tpu.memory_space<hbm>> -> memref<10000x128xf32, #tpu.memory_space<hbm>>
      tpu.wait_indirect_dma semaphore(%arg9 : memref<!tpu.dma_semaphore, #tpu.memory_space<semaphore_mem>>) src(%dma_wait3A_27 : memref<10000x128xf32, #tpu.memory_space<hbm>>) dst(%arg7 : memref<80x128xf32, #tpu.memory_space<vmem>>)
      %mul3A_28 = arith.constant 80 : i32
      %mul3A_29 = arith.muli %add3A_17, %mul3A_28 : i32
      %add3A_30 = arith.addi %mul3A_7, %mul3A_29 : i32
      "tpu.region"() ({
        %run_scoped3A = tpu.sem_alloc : memref<!tpu.dma_semaphore, #tpu.memory_space<semaphore_mem>>
        %dma_start3A_47 = arith.constant 0 : i32
        %dma_start3A_48 = tpu.memref_slice %arg4[%add3A_30, %dma_start3A_47] : memref<320000x128xf32, #tpu.memory_space<hbm>> -> memref<80x128xf32, #tpu.memory_space<hbm>>
        %dma_start3A_49 = arith.constant 0 : i32
        %dma_start3A_50 = tpu.memref_slice %arg4[%add3A_30, %dma_start3A_49] : memref<320000x128xf32, #tpu.memory_space<hbm>> -> memref<80x128xf32, #tpu.memory_space<hbm>>
        tpu.enqueue_dma source(%arg7 : memref<80x128xf32, #tpu.memory_space<vmem>>) target(%dma_start3A_50 : memref<80x128xf32, #tpu.memory_space<hbm>>) target_semaphore(%run_scoped3A : memref<!tpu.dma_semaphore, #tpu.memory_space<semaphore_mem>>)
        %dma_wait3A_51 = arith.constant 0 : i32
        %dma_wait3A_52 = tpu.memref_slice %arg4[%add3A_30, %dma_wait3A_51] : memref<320000x128xf32, #tpu.memory_space<hbm>> -> memref<80x128xf32, #tpu.memory_space<hbm>>
        %dma_wait3A_53 = arith.constant 0 : i32
        %dma_wait3A_54 = tpu.memref_slice %arg4[%add3A_30, %dma_wait3A_53] : memref<320000x128xf32, #tpu.memory_space<hbm>> -> memref<80x128xf32, #tpu.memory_space<hbm>>
        tpu.wait_dma2 semaphore(%run_scoped3A : memref<!tpu.dma_semaphore, #tpu.memory_space<semaphore_mem>>) src(%arg7 : memref<80x128xf32, #tpu.memory_space<vmem>>) dst(%dma_wait3A_54 : memref<80x128xf32, #tpu.memory_space<hbm>>)
        tpu.yield
      }) : () -> ()
      %broadcast_in_dim3A_31 = arith.constant 1.000000e+00 : f32
      %broadcast_in_dim3A_32 = vector.broadcast %broadcast_in_dim3A_31 : f32 to vector<16xf32>
      %get3A = arith.index_cast %add3A_17 : i32 to index
      %get3A_33 = arith.constant 0 : index
      %get3A_34 = tpu.vector_load %arg6[%get3A, %get3A_33] {strides = array<i32>} : memref<125x80xi32, #tpu.memory_space<vmem>>, vector<16xi32>,
      tpu.vector_store_idx %arg8[%get3A_34], %broadcast_in_dim3A_32 {add = true} : memref<10000xf32, #tpu.memory_space<vmem>>[vector<16xi32>], vector<16xf32>,
      %get3A_35 = arith.index_cast %add3A_17 : i32 to index
      %get3A_36 = arith.constant 16 : index
      %get3A_37 = tpu.vector_load %arg6[%get3A_35, %get3A_36] {strides = array<i32>} : memref<125x80xi32, #tpu.memory_space<vmem>>, vector<16xi32>,
      tpu.vector_store_idx %arg8[%get3A_37], %broadcast_in_dim3A_32 {add = true} : memref<10000xf32, #tpu.memory_space<vmem>>[vector<16xi32>], vector<16xf32>,
      %get3A_38 = arith.index_cast %add3A_17 : i32 to index
      %get3A_39 = arith.constant 32 : index
      %get3A_40 = tpu.vector_load %arg6[%get3A_38, %get3A_39] {strides = array<i32>} : memref<125x80xi32, #tpu.memory_space<vmem>>, vector<16xi32>,
      tpu.vector_store_idx %arg8[%get3A_40], %broadcast_in_dim3A_32 {add = true} : memref<10000xf32, #tpu.memory_space<vmem>>[vector<16xi32>], vector<16xf32>,
      %get3A_41 = arith.index_cast %add3A_17 : i32 to index
      %get3A_42 = arith.constant 48 : index
      %get3A_43 = tpu.vector_load %arg6[%get3A_41, %get3A_42] {strides = array<i32>} : memref<125x80xi32, #tpu.memory_space<vmem>>, vector<16xi32>,
      tpu.vector_store_idx %arg8[%get3A_43], %broadcast_in_dim3A_32 {add = true} : memref<10000xf32, #tpu.memory_space<vmem>>[vector<16xi32>], vector<16xf32>,
      %get3A_44 = arith.index_cast %add3A_17 : i32 to index
      %get3A_45 = arith.constant 64 : index
      %get3A_46 = tpu.vector_load %arg6[%get3A_44, %get3A_45] {strides = array<i32>} : memref<125x80xi32, #tpu.memory_space<vmem>>, vector<16xi32>,
      tpu.vector_store_idx %arg8[%get3A_46], %broadcast_in_dim3A_32 {add = true} : memref<10000xf32, #tpu.memory_space<vmem>>[vector<16xi32>], vector<16xf32>,
    }
    %scan3A_12 = arith.constant 125 : i32
    "tpu.region"() ({
      %run_scoped3A = tpu.sem_alloc : memref<!tpu.dma_semaphore, #tpu.memory_space<semaphore_mem>>
      %dma_start3A = arith.constant 0 : i32
      %dma_start3A_13 = tpu.memref_slice %arg5[%add3A, %dma_start3A] : memref<32x10000xf32, #tpu.memory_space<hbm>> -> memref<1x10000xf32, #tpu.memory_space<hbm>>
      %dma_start3A_14 = tpu.memref_squeeze %dma_start3A_13 : memref<1x10000xf32, #tpu.memory_space<hbm>> -> memref<10000xf32, #tpu.memory_space<hbm>>
      %dma_start3A_15 = arith.constant 0 : i32
      %dma_start3A_16 = tpu.memref_slice %arg5[%add3A, %dma_start3A_15] : memref<32x10000xf32, #tpu.memory_space<hbm>> -> memref<1x10000xf32, #tpu.memory_space<hbm>>
      %dma_start3A_17 = tpu.memref_squeeze %dma_start3A_16 : memref<1x10000xf32, #tpu.memory_space<hbm>> -> memref<10000xf32, #tpu.memory_space<hbm>>
      tpu.enqueue_dma source(%arg8 : memref<10000xf32, #tpu.memory_space<vmem>>) target(%dma_start3A_17 : memref<10000xf32, #tpu.memory_space<hbm>>) target_semaphore(%run_scoped3A : memref<!tpu.dma_semaphore, #tpu.memory_space<semaphore_mem>>)
      %dma_wait3A = arith.constant 0 : i32
      %dma_wait3A_18 = tpu.memref_slice %arg5[%add3A, %dma_wait3A] : memref<32x10000xf32, #tpu.memory_space<hbm>> -> memref<1x10000xf32, #tpu.memory_space<hbm>>
      %dma_wait3A_19 = tpu.memref_squeeze %dma_wait3A_18 : memref<1x10000xf32, #tpu.memory_space<hbm>> -> memref<10000xf32, #tpu.memory_space<hbm>>
      %dma_wait3A_20 = arith.constant 0 : i32
      %dma_wait3A_21 = tpu.memref_slice %arg5[%add3A, %dma_wait3A_20] : memref<32x10000xf32, #tpu.memory_space<hbm>> -> memref<1x10000xf32, #tpu.memory_space<hbm>>
      %dma_wait3A_22 = tpu.memref_squeeze %dma_wait3A_21 : memref<1x10000xf32, #tpu.memory_space<hbm>> -> memref<10000xf32, #tpu.memory_space<hbm>>
      tpu.wait_dma2 semaphore(%run_scoped3A : memref<!tpu.dma_semaphore, #tpu.memory_space<semaphore_mem>>) src(%arg8 : memref<10000xf32, #tpu.memory_space<vmem>>) dst(%dma_wait3A_22 : memref<10000xf32, #tpu.memory_space<hbm>>)
      tpu.yield
    }) : () -> ()
    return
  }
}

#map = affine_map<(d0, d1) -> (0, 0)>
#map1 = affine_map<(d0, d1) -> (0, 0, 0)>
module attributes {stable_mosaic.version = 14 : i64} {
  func.func @_sc_scatter_body(%arg0: i32, %arg1: i32, %arg2: memref<320000x128xf32, #tpu.memory_space<hbm>>, %arg3: memref<32x125x80xi32, #tpu.memory_space<hbm>>, %arg4: memref<10000x128xf32, #tpu.memory_space<hbm>>, %arg5: memref<20000x128xf32, #tpu.memory_space<hbm>>, %arg6: memref<32x10000xf32, #tpu.memory_space<hbm>>, %arg7: memref<125x80xi32, #tpu.memory_space<vmem>>, %arg8: memref<80xi32, #tpu.memory_space<vmem>>, %arg9: memref<80x128xf32, #tpu.memory_space<vmem>>, %arg10: memref<10000xf32, #tpu.memory_space<vmem>>, %arg11: memref<10000x128xf32, #tpu.memory_space<vmem_shared>>, %arg12: memref<!tpu.dma_semaphore, #tpu.memory_space<semaphore_mem>>) attributes {dimension_semantics = [#tpu.dimension_semantics<core_parallel>, #tpu.dimension_semantics<subcore_parallel>], iteration_bounds = array<i64: 2, 16>, scalar_prefetch = 0 : i64, scratch_operands = 6 : i64, tpu.core_type = #tpu.core_type<sc_vector_subcore>, window_params = [{transform_indices = #map}, {transform_indices = #map1}, {transform_indices = #map}, {transform_indices = #map}, {transform_indices = #map}]} {
    %mul3A = arith.constant 2 : i32
    %mul3A_0 = arith.muli %arg1, %mul3A : i32
    %add3A = arith.addi %mul3A_0, %arg0 : i32
    %eq3A = arith.constant 0 : i32
    %eq3A_1 = arith.cmpi eq, %arg1, %eq3A : i32
    %convert_element_type3A = arith.extui %eq3A_1 : i1 to i32
    %cond3A = arith.constant 0 : i32
    %cond3A_2 = arith.cmpi ne, %convert_element_type3A, %cond3A : i32
    scf.if %cond3A_2 {
      "tpu.region"() ({
        %run_scoped3A = tpu.sem_alloc : memref<!tpu.dma_semaphore, #tpu.memory_space<semaphore_mem>>
        tpu.enqueue_dma source(%arg4 : memref<10000x128xf32, #tpu.memory_space<hbm>>) target(%arg11 : memref<10000x128xf32, #tpu.memory_space<vmem_shared>>) target_semaphore(%run_scoped3A : memref<!tpu.dma_semaphore, #tpu.memory_space<semaphore_mem>>)
        tpu.wait_dma2 semaphore(%run_scoped3A : memref<!tpu.dma_semaphore, #tpu.memory_space<semaphore_mem>>) src(%arg4 : memref<10000x128xf32, #tpu.memory_space<hbm>>) dst(%arg11 : memref<10000x128xf32, #tpu.memory_space<vmem_shared>>)
        tpu.yield
      }) : () -> ()
    } else {
    }
    %barrier3A = arith.constant 0 : index
    tpu.barrier barrier_id(%barrier3A)
    "tpu.region"() ({
      %run_scoped3A = tpu.sem_alloc : memref<!tpu.dma_semaphore, #tpu.memory_space<semaphore_mem>>
      %dma_start3A = arith.constant 0 : i32
      %dma_start3A_20 = arith.constant 0 : i32
      %dma_start3A_21 = tpu.memref_slice %arg3[%add3A, %dma_start3A, %dma_start3A_20] : memref<32x125x80xi32, #tpu.memory_space<hbm>> -> memref<1x125x80xi32, #tpu.memory_space<hbm>>
      %dma_start3A_22 = tpu.memref_squeeze %dma_start3A_21 : memref<1x125x80xi32, #tpu.memory_space<hbm>> -> memref<125x80xi32, #tpu.memory_space<hbm>>
      %dma_start3A_23 = arith.constant 0 : i32
      %dma_start3A_24 = arith.constant 0 : i32
      %dma_start3A_25 = tpu.memref_slice %arg3[%add3A, %dma_start3A_23, %dma_start3A_24] : memref<32x125x80xi32, #tpu.memory_space<hbm>> -> memref<1x125x80xi32, #tpu.memory_space<hbm>>
      %dma_start3A_26 = tpu.memref_squeeze %dma_start3A_25 : memref<1x125x80xi32, #tpu.memory_space<hbm>> -> memref<125x80xi32, #tpu.memory_space<hbm>>
      tpu.enqueue_dma source(%dma_start3A_26 : memref<125x80xi32, #tpu.memory_space<hbm>>) target(%arg7 : memref<125x80xi32, #tpu.memory_space<vmem>>) target_semaphore(%run_scoped3A : memref<!tpu.dma_semaphore, #tpu.memory_space<semaphore_mem>>)
      %dma_wait3A = arith.constant 0 : i32
      %dma_wait3A_27 = arith.constant 0 : i32
      %dma_wait3A_28 = tpu.memref_slice %arg3[%add3A, %dma_wait3A, %dma_wait3A_27] : memref<32x125x80xi32, #tpu.memory_space<hbm>> -> memref<1x125x80xi32, #tpu.memory_space<hbm>>
      %dma_wait3A_29 = tpu.memref_squeeze %dma_wait3A_28 : memref<1x125x80xi32, #tpu.memory_space<hbm>> -> memref<125x80xi32, #tpu.memory_space<hbm>>
      %dma_wait3A_30 = arith.constant 0 : i32
      %dma_wait3A_31 = arith.constant 0 : i32
      %dma_wait3A_32 = tpu.memref_slice %arg3[%add3A, %dma_wait3A_30, %dma_wait3A_31] : memref<32x125x80xi32, #tpu.memory_space<hbm>> -> memref<1x125x80xi32, #tpu.memory_space<hbm>>
      %dma_wait3A_33 = tpu.memref_squeeze %dma_wait3A_32 : memref<1x125x80xi32, #tpu.memory_space<hbm>> -> memref<125x80xi32, #tpu.memory_space<hbm>>
      tpu.wait_dma2 semaphore(%run_scoped3A : memref<!tpu.dma_semaphore, #tpu.memory_space<semaphore_mem>>) src(%dma_wait3A_33 : memref<125x80xi32, #tpu.memory_space<hbm>>) dst(%arg7 : memref<125x80xi32, #tpu.memory_space<vmem>>)
      tpu.yield
    }) : () -> ()
    %broadcast_in_dim3A = arith.constant 0.000000e+00 : f32
    %broadcast_in_dim3A_3 = vector.broadcast %broadcast_in_dim3A : f32 to vector<16xf32>
    %scan3A = arith.constant 0 : i32
    %scan3A_4 = arith.constant 625 : i32
    %scan3A_5 = arith.addi %scan3A, %scan3A_4 : i32
    %scan3A_6 = arith.constant 1 : i32
    scf.for %scan3A_20 = %scan3A to %scan3A_5 step %scan3A_6  : i32 {
      %mul3A_21 = arith.constant 16 : i32
      %mul3A_22 = arith.muli %scan3A_20, %mul3A_21 : i32
      %add3A_23 = arith.constant 0 : i32
      %add3A_24 = arith.addi %add3A_23, %mul3A_22 : i32
      %swap3A = arith.index_cast %add3A_24 : i32 to index
      %swap3A_25 = tpu.vector_load %arg10[%swap3A] {strides = array<i32>} : memref<10000xf32, #tpu.memory_space<vmem>>, vector<16xf32>,
      tpu.vector_store %arg10[%swap3A], %broadcast_in_dim3A_3 {strides = array<i32>} : memref<10000xf32, #tpu.memory_space<vmem>>, vector<16xf32>,
    }
    %scan3A_7 = arith.constant 625 : i32
    %mul3A_8 = arith.constant 10000 : i32
    %mul3A_9 = arith.muli %add3A, %mul3A_8 : i32
    %scan3A_10 = arith.constant 0 : i32
    %scan3A_11 = arith.constant 125 : i32
    %scan3A_12 = arith.addi %scan3A_10, %scan3A_11 : i32
    %scan3A_13 = arith.constant 1 : i32
    scf.for %scan3A_20 = %scan3A_10 to %scan3A_12 step %scan3A_13  : i32 {
      %mul3A_21 = arith.constant 1 : i32
      %mul3A_22 = arith.muli %scan3A_20, %mul3A_21 : i32
      %add3A_23 = arith.constant 0 : i32
      %add3A_24 = arith.addi %add3A_23, %mul3A_22 : i32
      %get3A = arith.index_cast %add3A_24 : i32 to index
      %get3A_25 = arith.constant 0 : index
      %get3A_26 = tpu.vector_load %arg7[%get3A, %get3A_25] {strides = array<i32>} : memref<125x80xi32, #tpu.memory_space<vmem>>, vector<16xi32>,
      %swap3A = arith.constant 0 : index
      %swap3A_27 = tpu.vector_load %arg8[%swap3A] {strides = array<i32>} : memref<80xi32, #tpu.memory_space<vmem>>, vector<16xi32>,
      tpu.vector_store %arg8[%swap3A], %get3A_26 {strides = array<i32>} : memref<80xi32, #tpu.memory_space<vmem>>, vector<16xi32>,
      %get3A_28 = arith.index_cast %add3A_24 : i32 to index
      %get3A_29 = arith.constant 16 : index
      %get3A_30 = tpu.vector_load %arg7[%get3A_28, %get3A_29] {strides = array<i32>} : memref<125x80xi32, #tpu.memory_space<vmem>>, vector<16xi32>,
      %swap3A_31 = arith.constant 16 : index
      %swap3A_32 = tpu.vector_load %arg8[%swap3A_31] {strides = array<i32>} : memref<80xi32, #tpu.memory_space<vmem>>, vector<16xi32>,
      tpu.vector_store %arg8[%swap3A_31], %get3A_30 {strides = array<i32>} : memref<80xi32, #tpu.memory_space<vmem>>, vector<16xi32>,
      %get3A_33 = arith.index_cast %add3A_24 : i32 to index
      %get3A_34 = arith.constant 32 : index
      %get3A_35 = tpu.vector_load %arg7[%get3A_33, %get3A_34] {strides = array<i32>} : memref<125x80xi32, #tpu.memory_space<vmem>>, vector<16xi32>,
      %swap3A_36 = arith.constant 32 : index
      %swap3A_37 = tpu.vector_load %arg8[%swap3A_36] {strides = array<i32>} : memref<80xi32, #tpu.memory_space<vmem>>, vector<16xi32>,
      tpu.vector_store %arg8[%swap3A_36], %get3A_35 {strides = array<i32>} : memref<80xi32, #tpu.memory_space<vmem>>, vector<16xi32>,
      %get3A_38 = arith.index_cast %add3A_24 : i32 to index
      %get3A_39 = arith.constant 48 : index
      %get3A_40 = tpu.vector_load %arg7[%get3A_38, %get3A_39] {strides = array<i32>} : memref<125x80xi32, #tpu.memory_space<vmem>>, vector<16xi32>,
      %swap3A_41 = arith.constant 48 : index
      %swap3A_42 = tpu.vector_load %arg8[%swap3A_41] {strides = array<i32>} : memref<80xi32, #tpu.memory_space<vmem>>, vector<16xi32>,
      tpu.vector_store %arg8[%swap3A_41], %get3A_40 {strides = array<i32>} : memref<80xi32, #tpu.memory_space<vmem>>, vector<16xi32>,
      %get3A_43 = arith.index_cast %add3A_24 : i32 to index
      %get3A_44 = arith.constant 64 : index
      %get3A_45 = tpu.vector_load %arg7[%get3A_43, %get3A_44] {strides = array<i32>} : memref<125x80xi32, #tpu.memory_space<vmem>>, vector<16xi32>,
      %swap3A_46 = arith.constant 64 : index
      %swap3A_47 = tpu.vector_load %arg8[%swap3A_46] {strides = array<i32>} : memref<80xi32, #tpu.memory_space<vmem>>, vector<16xi32>,
      tpu.vector_store %arg8[%swap3A_46], %get3A_45 {strides = array<i32>} : memref<80xi32, #tpu.memory_space<vmem>>, vector<16xi32>,
      %mul3A_48 = arith.constant 80 : i32
      %mul3A_49 = arith.muli %add3A_24, %mul3A_48 : i32
      %add3A_50 = arith.addi %mul3A_9, %mul3A_49 : i32
      %dma_start3A = arith.constant 0 : i32
      %dma_start3A_51 = tpu.memref_slice %arg2[%add3A_50, %dma_start3A] : memref<320000x128xf32, #tpu.memory_space<hbm>> -> memref<80x128xf32, #tpu.memory_space<hbm>>
      %dma_start3A_52 = arith.constant 0 : i32
      %dma_start3A_53 = tpu.memref_slice %arg2[%add3A_50, %dma_start3A_52] : memref<320000x128xf32, #tpu.memory_space<hbm>> -> memref<80x128xf32, #tpu.memory_space<hbm>>
      tpu.enqueue_dma source(%dma_start3A_53 : memref<80x128xf32, #tpu.memory_space<hbm>>) target(%arg9 : memref<80x128xf32, #tpu.memory_space<vmem>>) target_semaphore(%arg12 : memref<!tpu.dma_semaphore, #tpu.memory_space<semaphore_mem>>)
      %dma_wait3A = arith.constant 0 : i32
      %dma_wait3A_54 = tpu.memref_slice %arg2[%add3A_50, %dma_wait3A] : memref<320000x128xf32, #tpu.memory_space<hbm>> -> memref<80x128xf32, #tpu.memory_space<hbm>>
      %dma_wait3A_55 = arith.constant 0 : i32
      %dma_wait3A_56 = tpu.memref_slice %arg2[%add3A_50, %dma_wait3A_55] : memref<320000x128xf32, #tpu.memory_space<hbm>> -> memref<80x128xf32, #tpu.memory_space<hbm>>
      tpu.wait_dma2 semaphore(%arg12 : memref<!tpu.dma_semaphore, #tpu.memory_space<semaphore_mem>>) src(%dma_wait3A_56 : memref<80x128xf32, #tpu.memory_space<hbm>>) dst(%arg9 : memref<80x128xf32, #tpu.memory_space<vmem>>)
      "tpu.region"() ({
        %run_scoped3A = tpu.sem_alloc : memref<!tpu.dma_semaphore, #tpu.memory_space<semaphore_mem>>
        %dma_start3A_74 = arith.constant 0 : i32
        %dma_start3A_75 = arith.constant 0 : i32
        %dma_start3A_76 = tpu.memref_slice %arg11[%dma_start3A_74, %dma_start3A_75] : memref<10000x128xf32, #tpu.memory_space<vmem_shared>> -> memref<10000x128xf32, #tpu.memory_space<vmem_shared>>
        tpu.enqueue_indirect_dma source(%arg9 : memref<80x128xf32, #tpu.memory_space<vmem>>) target(%dma_start3A_76 : memref<10000x128xf32, #tpu.memory_space<vmem_shared>>) offsets(%arg8 : memref<80xi32, #tpu.memory_space<vmem>>) semaphore(%run_scoped3A : memref<!tpu.dma_semaphore, #tpu.memory_space<semaphore_mem>>) {add = true}
        %dma_wait3A_77 = arith.constant 0 : i32
        %dma_wait3A_78 = arith.constant 0 : i32
        %dma_wait3A_79 = tpu.memref_slice %arg11[%dma_wait3A_77, %dma_wait3A_78] : memref<10000x128xf32, #tpu.memory_space<vmem_shared>> -> memref<10000x128xf32, #tpu.memory_space<vmem_shared>>
        tpu.wait_indirect_dma semaphore(%run_scoped3A : memref<!tpu.dma_semaphore, #tpu.memory_space<semaphore_mem>>) src(%arg9 : memref<80x128xf32, #tpu.memory_space<vmem>>) dst(%dma_wait3A_79 : memref<10000x128xf32, #tpu.memory_space<vmem_shared>>)
        tpu.yield
      }) : () -> ()
      %broadcast_in_dim3A_57 = arith.constant 1.000000e+00 : f32
      %broadcast_in_dim3A_58 = vector.broadcast %broadcast_in_dim3A_57 : f32 to vector<16xf32>
      %get3A_59 = arith.index_cast %add3A_24 : i32 to index
      %get3A_60 = arith.constant 0 : index
      %get3A_61 = tpu.vector_load %arg7[%get3A_59, %get3A_60] {strides = array<i32>} : memref<125x80xi32, #tpu.memory_space<vmem>>, vector<16xi32>,
      tpu.vector_store_idx %arg10[%get3A_61], %broadcast_in_dim3A_58 {add = true} : memref<10000xf32, #tpu.memory_space<vmem>>[vector<16xi32>], vector<16xf32>,
      %get3A_62 = arith.index_cast %add3A_24 : i32 to index
      %get3A_63 = arith.constant 16 : index
      %get3A_64 = tpu.vector_load %arg7[%get3A_62, %get3A_63] {strides = array<i32>} : memref<125x80xi32, #tpu.memory_space<vmem>>, vector<16xi32>,
      tpu.vector_store_idx %arg10[%get3A_64], %broadcast_in_dim3A_58 {add = true} : memref<10000xf32, #tpu.memory_space<vmem>>[vector<16xi32>], vector<16xf32>,
      %get3A_65 = arith.index_cast %add3A_24 : i32 to index
      %get3A_66 = arith.constant 32 : index
      %get3A_67 = tpu.vector_load %arg7[%get3A_65, %get3A_66] {strides = array<i32>} : memref<125x80xi32, #tpu.memory_space<vmem>>, vector<16xi32>,
      tpu.vector_store_idx %arg10[%get3A_67], %broadcast_in_dim3A_58 {add = true} : memref<10000xf32, #tpu.memory_space<vmem>>[vector<16xi32>], vector<16xf32>,
      %get3A_68 = arith.index_cast %add3A_24 : i32 to index
      %get3A_69 = arith.constant 48 : index
      %get3A_70 = tpu.vector_load %arg7[%get3A_68, %get3A_69] {strides = array<i32>} : memref<125x80xi32, #tpu.memory_space<vmem>>, vector<16xi32>,
      tpu.vector_store_idx %arg10[%get3A_70], %broadcast_in_dim3A_58 {add = true} : memref<10000xf32, #tpu.memory_space<vmem>>[vector<16xi32>], vector<16xf32>,
      %get3A_71 = arith.index_cast %add3A_24 : i32 to index
      %get3A_72 = arith.constant 64 : index
      %get3A_73 = tpu.vector_load %arg7[%get3A_71, %get3A_72] {strides = array<i32>} : memref<125x80xi32, #tpu.memory_space<vmem>>, vector<16xi32>,
      tpu.vector_store_idx %arg10[%get3A_73], %broadcast_in_dim3A_58 {add = true} : memref<10000xf32, #tpu.memory_space<vmem>>[vector<16xi32>], vector<16xf32>,
    }
    %scan3A_14 = arith.constant 125 : i32
    "tpu.region"() ({
      %run_scoped3A = tpu.sem_alloc : memref<!tpu.dma_semaphore, #tpu.memory_space<semaphore_mem>>
      %dma_start3A = arith.constant 0 : i32
      %dma_start3A_20 = tpu.memref_slice %arg6[%add3A, %dma_start3A] : memref<32x10000xf32, #tpu.memory_space<hbm>> -> memref<1x10000xf32, #tpu.memory_space<hbm>>
      %dma_start3A_21 = tpu.memref_squeeze %dma_start3A_20 : memref<1x10000xf32, #tpu.memory_space<hbm>> -> memref<10000xf32, #tpu.memory_space<hbm>>
      %dma_start3A_22 = arith.constant 0 : i32
      %dma_start3A_23 = tpu.memref_slice %arg6[%add3A, %dma_start3A_22] : memref<32x10000xf32, #tpu.memory_space<hbm>> -> memref<1x10000xf32, #tpu.memory_space<hbm>>
      %dma_start3A_24 = tpu.memref_squeeze %dma_start3A_23 : memref<1x10000xf32, #tpu.memory_space<hbm>> -> memref<10000xf32, #tpu.memory_space<hbm>>
      tpu.enqueue_dma source(%arg10 : memref<10000xf32, #tpu.memory_space<vmem>>) target(%dma_start3A_24 : memref<10000xf32, #tpu.memory_space<hbm>>) target_semaphore(%run_scoped3A : memref<!tpu.dma_semaphore, #tpu.memory_space<semaphore_mem>>)
      %dma_wait3A = arith.constant 0 : i32
      %dma_wait3A_25 = tpu.memref_slice %arg6[%add3A, %dma_wait3A] : memref<32x10000xf32, #tpu.memory_space<hbm>> -> memref<1x10000xf32, #tpu.memory_space<hbm>>
      %dma_wait3A_26 = tpu.memref_squeeze %dma_wait3A_25 : memref<1x10000xf32, #tpu.memory_space<hbm>> -> memref<10000xf32, #tpu.memory_space<hbm>>
      %dma_wait3A_27 = arith.constant 0 : i32
      %dma_wait3A_28 = tpu.memref_slice %arg6[%add3A, %dma_wait3A_27] : memref<32x10000xf32, #tpu.memory_space<hbm>> -> memref<1x10000xf32, #tpu.memory_space<hbm>>
      %dma_wait3A_29 = tpu.memref_squeeze %dma_wait3A_28 : memref<1x10000xf32, #tpu.memory_space<hbm>> -> memref<10000xf32, #tpu.memory_space<hbm>>
      tpu.wait_dma2 semaphore(%run_scoped3A : memref<!tpu.dma_semaphore, #tpu.memory_space<semaphore_mem>>) src(%arg10 : memref<10000xf32, #tpu.memory_space<vmem>>) dst(%dma_wait3A_29 : memref<10000xf32, #tpu.memory_space<hbm>>)
      tpu.yield
    }) : () -> ()
    %barrier3A_15 = arith.constant 0 : index
    tpu.barrier barrier_id(%barrier3A_15)
    %lt3A = arith.constant 10 : i32
    %lt3A_16 = arith.cmpi slt, %arg1, %lt3A : i32
    %convert_element_type3A_17 = arith.extui %lt3A_16 : i1 to i32
    %cond3A_18 = arith.constant 0 : i32
    %cond3A_19 = arith.cmpi ne, %convert_element_type3A_17, %cond3A_18 : i32
    scf.if %cond3A_19 {
      %mul3A_20 = arith.constant 1000 : i32
      %mul3A_21 = arith.muli %arg1, %mul3A_20 : i32
      %mul3A_22 = arith.constant 10000 : i32
      %mul3A_23 = arith.muli %arg0, %mul3A_22 : i32
      %add3A_24 = arith.addi %mul3A_23, %mul3A_21 : i32
      "tpu.region"() ({
        %run_scoped3A = tpu.sem_alloc : memref<!tpu.dma_semaphore, #tpu.memory_space<semaphore_mem>>
        %dma_start3A = arith.constant 0 : i32
        %dma_start3A_25 = tpu.memref_slice %arg5[%add3A_24, %dma_start3A] : memref<20000x128xf32, #tpu.memory_space<hbm>> -> memref<1000x128xf32, #tpu.memory_space<hbm>>
        %dma_start3A_26 = arith.constant 0 : i32
        %dma_start3A_27 = tpu.memref_slice %arg11[%mul3A_21, %dma_start3A_26] : memref<10000x128xf32, #tpu.memory_space<vmem_shared>> -> memref<1000x128xf32, #tpu.memory_space<vmem_shared>>
        tpu.enqueue_dma source(%dma_start3A_27 : memref<1000x128xf32, #tpu.memory_space<vmem_shared>>) target(%dma_start3A_25 : memref<1000x128xf32, #tpu.memory_space<hbm>>) target_semaphore(%run_scoped3A : memref<!tpu.dma_semaphore, #tpu.memory_space<semaphore_mem>>)
        %dma_wait3A = arith.constant 0 : i32
        %dma_wait3A_28 = tpu.memref_slice %arg5[%add3A_24, %dma_wait3A] : memref<20000x128xf32, #tpu.memory_space<hbm>> -> memref<1000x128xf32, #tpu.memory_space<hbm>>
        %dma_wait3A_29 = arith.constant 0 : i32
        %dma_wait3A_30 = tpu.memref_slice %arg11[%mul3A_21, %dma_wait3A_29] : memref<10000x128xf32, #tpu.memory_space<vmem_shared>> -> memref<1000x128xf32, #tpu.memory_space<vmem_shared>>
        tpu.wait_dma2 semaphore(%run_scoped3A : memref<!tpu.dma_semaphore, #tpu.memory_space<semaphore_mem>>) src(%dma_wait3A_30 : memref<1000x128xf32, #tpu.memory_space<vmem_shared>>) dst(%dma_wait3A_28 : memref<1000x128xf32, #tpu.memory_space<hbm>>)
        tpu.yield
      }) : () -> ()
    } else {
    }
    return
  }
}

module attributes {stable_mosaic.version = 14 : i64} {
  func.func @_ea_stats_body(%arg0: i32, %arg1: memref<8000x16xf32, #tpu.memory_space<vmem>>, %arg2: memref<2x16xf32, #tpu.memory_space<vmem>>) attributes {dimension_semantics = [#tpu.dimension_semantics<arbitrary>], iteration_bounds = array<i64: 40>, scalar_prefetch = 0 : i64, scratch_operands = 0 : i64, tpu.core_type = #tpu.core_type<tc>, window_params = [{transform_indices = @transform_0, window_bounds = array<i64: 8000, 16>}, {pipeline_mode = #tpu.pipeline_mode<synchronous>, transform_indices = @transform_1, window_bounds = array<i64: 2, 16>}]} {
    %eq3A = arith.constant 0 : i32
    %eq3A_0 = arith.cmpi eq, %arg0, %eq3A : i32
    %convert_element_type3A = arith.extui %eq3A_0 : i1 to i32
    %cond3A = arith.constant 0 : i32
    %cond3A_1 = arith.cmpi ne, %convert_element_type3A, %cond3A : i32
    scf.if %cond3A_1 {
      %broadcast_in_dim3A_13 = arith.constant 0.000000e+00 : f32
      %broadcast_in_dim3A_14 = vector.broadcast %broadcast_in_dim3A_13 : f32 to vector<2x16xf32>
      %swap3A_15 = arith.constant 0 : index
      %swap3A_16 = arith.constant 0 : index
      %swap3A_17 = vector.load %arg2[%swap3A_15, %swap3A_16] : memref<2x16xf32, #tpu.memory_space<vmem>>, vector<2x16xf32>
      tpu.vector_store %arg2[%swap3A_15, %swap3A_16], %broadcast_in_dim3A_14 {strides = array<i32>} : memref<2x16xf32, #tpu.memory_space<vmem>>, vector<2x16xf32>,
    } else {
    }
    %get3A = arith.constant 0 : index
    %get3A_2 = arith.constant 0 : index
    %get3A_3 = vector.load %arg1[%get3A, %get3A_2] : memref<8000x16xf32, #tpu.memory_space<vmem>>, vector<8000x16xf32>
    %reduce_sum3A = arith.constant dense<0.000000e+00> : vector<16xf32>
    %reduce_sum3A_4 = vector.multi_reduction <add>, %get3A_3, %reduce_sum3A [0] : vector<8000x16xf32> to vector<16xf32>
    %broadcast_in_dim3A = vector.shape_cast %reduce_sum3A_4 : vector<16xf32> to vector<1x16xf32>
    %mul3A = arith.mulf %get3A_3, %get3A_3 : vector<8000x16xf32>
    %reduce_sum3A_5 = arith.constant dense<0.000000e+00> : vector<16xf32>
    %reduce_sum3A_6 = vector.multi_reduction <add>, %mul3A, %reduce_sum3A_5 [0] : vector<8000x16xf32> to vector<16xf32>
    %broadcast_in_dim3A_7 = vector.shape_cast %reduce_sum3A_6 : vector<16xf32> to vector<1x16xf32>
    %get3A_8 = arith.constant 0 : index
    %get3A_9 = arith.constant 0 : index
    %get3A_10 = vector.load %arg2[%get3A_8, %get3A_9] : memref<2x16xf32, #tpu.memory_space<vmem>>, vector<2x16xf32>
    %concatenate3A = tpu.concatenate %broadcast_in_dim3A, %broadcast_in_dim3A_7 in 0 : vector<1x16xf32>, vector<1x16xf32> -> vector<2x16xf32>
    %add3A = arith.addf %get3A_10, %concatenate3A : vector<2x16xf32>
    %swap3A = arith.constant 0 : index
    %swap3A_11 = arith.constant 0 : index
    %swap3A_12 = vector.load %arg2[%swap3A, %swap3A_11] : memref<2x16xf32, #tpu.memory_space<vmem>>, vector<2x16xf32>
    tpu.vector_store %arg2[%swap3A, %swap3A_11], %add3A {strides = array<i32>} : memref<2x16xf32, #tpu.memory_space<vmem>>, vector<2x16xf32>,
    return
  }
  func.func @transform_0(%arg0: i32) -> (i32, i32) {
    %c0_i32 = arith.constant 0 : i32
    %c0_i32_0 = arith.constant 0 : i32
    return %arg0, %c0_i32 : i32, i32
  }
  func.func @transform_1(%arg0: i32) -> (i32, i32) {
    %c0_i32 = arith.constant 0 : i32
    %c0_i32_0 = arith.constant 0 : i32
    %c0_i32_1 = arith.constant 0 : i32
    return %c0_i32, %c0_i32_0 : i32, i32
  }
}

module attributes {stable_mosaic.version = 14 : i64} {
  func.func @_prep_body(%arg0: memref<10000x128xf32, #tpu.memory_space<vmem>>, %arg1: memref<10000x1xf32, #tpu.memory_space<vmem>>, %arg2: memref<4x128xf32, #tpu.memory_space<vmem>>) attributes {dimension_semantics = [], scalar_prefetch = 0 : i64, scratch_operands = 0 : i64, tpu.core_type = #tpu.core_type<tc>} {
    %get3A = arith.constant 0 : index
    %get3A_0 = arith.constant 0 : index
    %get3A_1 = vector.load %arg0[%get3A, %get3A_0] : memref<10000x128xf32, #tpu.memory_space<vmem>>, vector<10000x128xf32>
    %get3A_2 = arith.constant 0 : index
    %get3A_3 = arith.constant 0 : index
    %get3A_4 = vector.load %arg1[%get3A_2, %get3A_3] : memref<10000x1xf32, #tpu.memory_space<vmem>>, vector<10000x1xf32>
    %mul3A = vector.broadcast %get3A_4 : vector<10000x1xf32> to vector<10000x128xf32>
    %mul3A_5 = arith.mulf %get3A_1, %mul3A : vector<10000x128xf32>
    %reduce_sum3A = arith.constant dense<0.000000e+00> : vector<128xf32>
    %reduce_sum3A_6 = vector.multi_reduction <add>, %mul3A_5, %reduce_sum3A [0] : vector<10000x128xf32> to vector<128xf32>
    %broadcast_in_dim3A = vector.shape_cast %reduce_sum3A_6 : vector<128xf32> to vector<1x128xf32>
    %mul3A_7 = arith.mulf %mul3A_5, %get3A_1 : vector<10000x128xf32>
    %reduce_sum3A_8 = arith.constant dense<0.000000e+00> : vector<128xf32>
    %reduce_sum3A_9 = vector.multi_reduction <add>, %mul3A_7, %reduce_sum3A_8 [0] : vector<10000x128xf32> to vector<128xf32>
    %broadcast_in_dim3A_10 = vector.shape_cast %reduce_sum3A_9 : vector<128xf32> to vector<1x128xf32>
    %reduce_sum3A_11 = arith.constant dense<0.000000e+00> : vector<128xf32>
    %reduce_sum3A_12 = vector.multi_reduction <add>, %get3A_1, %reduce_sum3A_11 [0] : vector<10000x128xf32> to vector<128xf32>
    %broadcast_in_dim3A_13 = vector.shape_cast %reduce_sum3A_12 : vector<128xf32> to vector<1x128xf32>
    %mul3A_14 = arith.mulf %get3A_1, %get3A_1 : vector<10000x128xf32>
    %reduce_sum3A_15 = arith.constant dense<0.000000e+00> : vector<128xf32>
    %reduce_sum3A_16 = vector.multi_reduction <add>, %mul3A_14, %reduce_sum3A_15 [0] : vector<10000x128xf32> to vector<128xf32>
    %broadcast_in_dim3A_17 = vector.shape_cast %reduce_sum3A_16 : vector<128xf32> to vector<1x128xf32>
    %concatenate3A = tpu.concatenate %broadcast_in_dim3A, %broadcast_in_dim3A_10, %broadcast_in_dim3A_13, %broadcast_in_dim3A_17 in 0 : vector<1x128xf32>, vector<1x128xf32>, vector<1x128xf32>, vector<1x128xf32> -> vector<4x128xf32>
    %swap3A = arith.constant 0 : index
    %swap3A_18 = arith.constant 0 : index
    %swap3A_19 = vector.load %arg2[%swap3A, %swap3A_18] : memref<4x128xf32, #tpu.memory_space<vmem>>, vector<4x128xf32>
    tpu.vector_store %arg2[%swap3A, %swap3A_18], %concatenate3A {strides = array<i32>} : memref<4x128xf32, #tpu.memory_space<vmem>>, vector<4x128xf32>,
    return
  }
}

module attributes {stable_mosaic.version = 14 : i64} {
  func.func @_p2_body(%arg0: i32, %arg1: memref<4000x128xf32, #tpu.memory_space<vmem>>, %arg2: memref<4000x16xf32, #tpu.memory_space<vmem>>, %arg3: memref<128x128xf32, #tpu.memory_space<vmem>>, %arg4: memref<16x128xf32, #tpu.memory_space<vmem>>, %arg5: memref<1x128xf32, #tpu.memory_space<vmem>>, %arg6: memref<4000x128xf32, #tpu.memory_space<vmem>>, %arg7: memref<2x128xf32, #tpu.memory_space<vmem>>) attributes {dimension_semantics = [#tpu.dimension_semantics<arbitrary>], iteration_bounds = array<i64: 80>, scalar_prefetch = 0 : i64, scratch_operands = 0 : i64, tpu.core_type = #tpu.core_type<tc>, window_params = [{transform_indices = @transform_0, window_bounds = array<i64: 4000, 128>}, {transform_indices = @transform_1, window_bounds = array<i64: 4000, 16>}, {pipeline_mode = #tpu.pipeline_mode<synchronous>, transform_indices = @transform_2, window_bounds = array<i64: 128, 128>}, {pipeline_mode = #tpu.pipeline_mode<synchronous>, transform_indices = @transform_3, window_bounds = array<i64: 16, 128>}, {pipeline_mode = #tpu.pipeline_mode<synchronous>, transform_indices = @transform_4, window_bounds = array<i64: 1, 128>}, {transform_indices = @transform_5, window_bounds = array<i64: 4000, 128>}, {pipeline_mode = #tpu.pipeline_mode<synchronous>, transform_indices = @transform_6, window_bounds = array<i64: 2, 128>}]} {
    %eq3A = arith.constant 0 : i32
    %eq3A_0 = arith.cmpi eq, %arg0, %eq3A : i32
    %convert_element_type3A = arith.extui %eq3A_0 : i1 to i32
    %cond3A = arith.constant 0 : i32
    %cond3A_1 = arith.cmpi ne, %convert_element_type3A, %cond3A : i32
    scf.if %cond3A_1 {
      %broadcast_in_dim3A_36 = arith.constant 0.000000e+00 : f32
      %broadcast_in_dim3A_37 = vector.broadcast %broadcast_in_dim3A_36 : f32 to vector<2x128xf32>
      %swap3A_38 = arith.constant 0 : index
      %swap3A_39 = arith.constant 0 : index
      %swap3A_40 = vector.load %arg7[%swap3A_38, %swap3A_39] : memref<2x128xf32, #tpu.memory_space<vmem>>, vector<2x128xf32>
      tpu.vector_store %arg7[%swap3A_38, %swap3A_39], %broadcast_in_dim3A_37 {strides = array<i32>} : memref<2x128xf32, #tpu.memory_space<vmem>>, vector<2x128xf32>,
    } else {
    }
    %get3A = arith.constant 0 : index
    %get3A_2 = arith.constant 0 : index
    %get3A_3 = vector.load %arg1[%get3A, %get3A_2] : memref<4000x128xf32, #tpu.memory_space<vmem>>, vector<4000x128xf32>
    %get3A_4 = arith.constant 0 : index
    %get3A_5 = arith.constant 0 : index
    %get3A_6 = vector.load %arg3[%get3A_4, %get3A_5] : memref<128x128xf32, #tpu.memory_space<vmem>>, vector<128x128xf32>
    %dot_general3A = arith.constant dense<0.000000e+00> : vector<4000x128xf32>
    %dot_general3A_7 = tpu.matmul %get3A_3, %get3A_6, %dot_general3A {dimension_numbers = #tpu.dot_dimension_numbers<[1], [0], [0], [1], [0, 0, 1, 1], [], []>, precision = #tpu.contract_precision<fp32>, transpose_lhs_hint = false} : vector<4000x128xf32>, vector<128x128xf32>, vector<4000x128xf32> -> vector<4000x128xf32>
    %get3A_8 = arith.constant 0 : index
    %get3A_9 = arith.constant 0 : index
    %get3A_10 = vector.load %arg2[%get3A_8, %get3A_9] : memref<4000x16xf32, #tpu.memory_space<vmem>>, vector<4000x16xf32>
    %get3A_11 = arith.constant 0 : index
    %get3A_12 = arith.constant 0 : index
    %get3A_13 = vector.load %arg4[%get3A_11, %get3A_12] : memref<16x128xf32, #tpu.memory_space<vmem>>, vector<16x128xf32>
    %dot_general3A_14 = arith.constant dense<0.000000e+00> : vector<4000x128xf32>
    %dot_general3A_15 = tpu.matmul %get3A_10, %get3A_13, %dot_general3A_14 {dimension_numbers = #tpu.dot_dimension_numbers<[1], [0], [0], [1], [0, 0, 1, 1], [], []>, precision = #tpu.contract_precision<fp32>, transpose_lhs_hint = false} : vector<4000x16xf32>, vector<16x128xf32>, vector<4000x128xf32> -> vector<4000x128xf32>
    %add3A = arith.addf %dot_general3A_7, %dot_general3A_15 : vector<4000x128xf32>
    %get3A_16 = arith.constant 0 : index
    %get3A_17 = arith.constant 0 : index
    %get3A_18 = vector.load %arg5[%get3A_16, %get3A_17] : memref<1x128xf32, #tpu.memory_space<vmem>>, vector<1x128xf32>
    %add3A_19 = vector.broadcast %get3A_18 : vector<1x128xf32> to vector<4000x128xf32>
    %add3A_20 = arith.addf %add3A, %add3A_19 : vector<4000x128xf32>
    %max3A = arith.constant 0.000000e+00 : f32
    %max3A_21 = vector.broadcast %max3A : f32 to vector<4000x128xf32>
    %max3A_22 = arith.maximumf %add3A_20, %max3A_21 : vector<4000x128xf32>
    %swap3A = arith.constant 0 : index
    %swap3A_23 = arith.constant 0 : index
    %swap3A_24 = vector.load %arg6[%swap3A, %swap3A_23] : memref<4000x128xf32, #tpu.memory_space<vmem>>, vector<4000x128xf32>
    tpu.vector_store %arg6[%swap3A, %swap3A_23], %max3A_22 {strides = array<i32>} : memref<4000x128xf32, #tpu.memory_space<vmem>>, vector<4000x128xf32>,
    %reduce_sum3A = arith.constant dense<0.000000e+00> : vector<128xf32>
    %reduce_sum3A_25 = vector.multi_reduction <add>, %max3A_22, %reduce_sum3A [0] : vector<4000x128xf32> to vector<128xf32>
    %broadcast_in_dim3A = vector.shape_cast %reduce_sum3A_25 : vector<128xf32> to vector<1x128xf32>
    %mul3A = arith.mulf %max3A_22, %max3A_22 : vector<4000x128xf32>
    %reduce_sum3A_26 = arith.constant dense<0.000000e+00> : vector<128xf32>
    %reduce_sum3A_27 = vector.multi_reduction <add>, %mul3A, %reduce_sum3A_26 [0] : vector<4000x128xf32> to vector<128xf32>
    %broadcast_in_dim3A_28 = vector.shape_cast %reduce_sum3A_27 : vector<128xf32> to vector<1x128xf32>
    %get3A_29 = arith.constant 0 : index
    %get3A_30 = arith.constant 0 : index
    %get3A_31 = vector.load %arg7[%get3A_29, %get3A_30] : memref<2x128xf32, #tpu.memory_space<vmem>>, vector<2x128xf32>
    %concatenate3A = tpu.concatenate %broadcast_in_dim3A, %broadcast_in_dim3A_28 in 0 : vector<1x128xf32>, vector<1x128xf32> -> vector<2x128xf32>
    %add3A_32 = arith.addf %get3A_31, %concatenate3A : vector<2x128xf32>
    %swap3A_33 = arith.constant 0 : index
    %swap3A_34 = arith.constant 0 : index
    %swap3A_35 = vector.load %arg7[%swap3A_33, %swap3A_34] : memref<2x128xf32, #tpu.memory_space<vmem>>, vector<2x128xf32>
    tpu.vector_store %arg7[%swap3A_33, %swap3A_34], %add3A_32 {strides = array<i32>} : memref<2x128xf32, #tpu.memory_space<vmem>>, vector<2x128xf32>,
    return
  }
  func.func @transform_0(%arg0: i32) -> (i32, i32) {
    %c0_i32 = arith.constant 0 : i32
    %c0_i32_0 = arith.constant 0 : i32
    return %arg0, %c0_i32 : i32, i32
  }
  func.func @transform_1(%arg0: i32) -> (i32, i32) {
    %c0_i32 = arith.constant 0 : i32
    %c0_i32_0 = arith.constant 0 : i32
    return %arg0, %c0_i32 : i32, i32
  }
  func.func @transform_2(%arg0: i32) -> (i32, i32) {
    %c0_i32 = arith.constant 0 : i32
    %c0_i32_0 = arith.constant 0 : i32
    %c0_i32_1 = arith.constant 0 : i32
    return %c0_i32, %c0_i32_0 : i32, i32
  }
  func.func @transform_3(%arg0: i32) -> (i32, i32) {
    %c0_i32 = arith.constant 0 : i32
    %c0_i32_0 = arith.constant 0 : i32
    %c0_i32_1 = arith.constant 0 : i32
    return %c0_i32, %c0_i32_0 : i32, i32
  }
  func.func @transform_4(%arg0: i32) -> (i32, i32) {
    %c0_i32 = arith.constant 0 : i32
    %c0_i32_0 = arith.constant 0 : i32
    %c0_i32_1 = arith.constant 0 : i32
    return %c0_i32, %c0_i32_0 : i32, i32
  }
  func.func @transform_5(%arg0: i32) -> (i32, i32) {
    %c0_i32 = arith.constant 0 : i32
    %c0_i32_0 = arith.constant 0 : i32
    return %arg0, %c0_i32 : i32, i32
  }
  func.func @transform_6(%arg0: i32) -> (i32, i32) {
    %c0_i32 = arith.constant 0 : i32
    %c0_i32_0 = arith.constant 0 : i32
    %c0_i32_1 = arith.constant 0 : i32
    return %c0_i32, %c0_i32_0 : i32, i32
  }
}

module attributes {stable_mosaic.version = 14 : i64} {
  func.func @_p3_body(%arg0: i32, %arg1: memref<4000x128xf32, #tpu.memory_space<vmem>>, %arg2: memref<128x128xf32, #tpu.memory_space<vmem>>, %arg3: memref<1x128xf32, #tpu.memory_space<vmem>>, %arg4: memref<4000x128xf32, #tpu.memory_space<vmem>>, %arg5: memref<2x128xf32, #tpu.memory_space<vmem>>) attributes {dimension_semantics = [#tpu.dimension_semantics<arbitrary>], iteration_bounds = array<i64: 80>, scalar_prefetch = 0 : i64, scratch_operands = 0 : i64, tpu.core_type = #tpu.core_type<tc>, window_params = [{transform_indices = @transform_0, window_bounds = array<i64: 4000, 128>}, {pipeline_mode = #tpu.pipeline_mode<synchronous>, transform_indices = @transform_1, window_bounds = array<i64: 128, 128>}, {pipeline_mode = #tpu.pipeline_mode<synchronous>, transform_indices = @transform_2, window_bounds = array<i64: 1, 128>}, {transform_indices = @transform_3, window_bounds = array<i64: 4000, 128>}, {pipeline_mode = #tpu.pipeline_mode<synchronous>, transform_indices = @transform_4, window_bounds = array<i64: 2, 128>}]} {
    %eq3A = arith.constant 0 : i32
    %eq3A_0 = arith.cmpi eq, %arg0, %eq3A : i32
    %convert_element_type3A = arith.extui %eq3A_0 : i1 to i32
    %cond3A = arith.constant 0 : i32
    %cond3A_1 = arith.cmpi ne, %convert_element_type3A, %cond3A : i32
    scf.if %cond3A_1 {
      %broadcast_in_dim3A_27 = arith.constant 0.000000e+00 : f32
      %broadcast_in_dim3A_28 = vector.broadcast %broadcast_in_dim3A_27 : f32 to vector<2x128xf32>
      %swap3A_29 = arith.constant 0 : index
      %swap3A_30 = arith.constant 0 : index
      %swap3A_31 = vector.load %arg5[%swap3A_29, %swap3A_30] : memref<2x128xf32, #tpu.memory_space<vmem>>, vector<2x128xf32>
      tpu.vector_store %arg5[%swap3A_29, %swap3A_30], %broadcast_in_dim3A_28 {strides = array<i32>} : memref<2x128xf32, #tpu.memory_space<vmem>>, vector<2x128xf32>,
    } else {
    }
    %get3A = arith.constant 0 : index
    %get3A_2 = arith.constant 0 : index
    %get3A_3 = vector.load %arg1[%get3A, %get3A_2] : memref<4000x128xf32, #tpu.memory_space<vmem>>, vector<4000x128xf32>
    %get3A_4 = arith.constant 0 : index
    %get3A_5 = arith.constant 0 : index
    %get3A_6 = vector.load %arg2[%get3A_4, %get3A_5] : memref<128x128xf32, #tpu.memory_space<vmem>>, vector<128x128xf32>
    %dot_general3A = arith.constant dense<0.000000e+00> : vector<4000x128xf32>
    %dot_general3A_7 = tpu.matmul %get3A_3, %get3A_6, %dot_general3A {dimension_numbers = #tpu.dot_dimension_numbers<[1], [0], [0], [1], [0, 0, 1, 1], [], []>, precision = #tpu.contract_precision<fp32>, transpose_lhs_hint = false} : vector<4000x128xf32>, vector<128x128xf32>, vector<4000x128xf32> -> vector<4000x128xf32>
    %get3A_8 = arith.constant 0 : index
    %get3A_9 = arith.constant 0 : index
    %get3A_10 = vector.load %arg3[%get3A_8, %get3A_9] : memref<1x128xf32, #tpu.memory_space<vmem>>, vector<1x128xf32>
    %add3A = vector.broadcast %get3A_10 : vector<1x128xf32> to vector<4000x128xf32>
    %add3A_11 = arith.addf %dot_general3A_7, %add3A : vector<4000x128xf32>
    %max3A = arith.constant 0.000000e+00 : f32
    %max3A_12 = vector.broadcast %max3A : f32 to vector<4000x128xf32>
    %max3A_13 = arith.maximumf %add3A_11, %max3A_12 : vector<4000x128xf32>
    %swap3A = arith.constant 0 : index
    %swap3A_14 = arith.constant 0 : index
    %swap3A_15 = vector.load %arg4[%swap3A, %swap3A_14] : memref<4000x128xf32, #tpu.memory_space<vmem>>, vector<4000x128xf32>
    tpu.vector_store %arg4[%swap3A, %swap3A_14], %max3A_13 {strides = array<i32>} : memref<4000x128xf32, #tpu.memory_space<vmem>>, vector<4000x128xf32>,
    %reduce_sum3A = arith.constant dense<0.000000e+00> : vector<128xf32>
    %reduce_sum3A_16 = vector.multi_reduction <add>, %max3A_13, %reduce_sum3A [0] : vector<4000x128xf32> to vector<128xf32>
    %broadcast_in_dim3A = vector.shape_cast %reduce_sum3A_16 : vector<128xf32> to vector<1x128xf32>
    %mul3A = arith.mulf %max3A_13, %max3A_13 : vector<4000x128xf32>
    %reduce_sum3A_17 = arith.constant dense<0.000000e+00> : vector<128xf32>
    %reduce_sum3A_18 = vector.multi_reduction <add>, %mul3A, %reduce_sum3A_17 [0] : vector<4000x128xf32> to vector<128xf32>
    %broadcast_in_dim3A_19 = vector.shape_cast %reduce_sum3A_18 : vector<128xf32> to vector<1x128xf32>
    %get3A_20 = arith.constant 0 : index
    %get3A_21 = arith.constant 0 : index
    %get3A_22 = vector.load %arg5[%get3A_20, %get3A_21] : memref<2x128xf32, #tpu.memory_space<vmem>>, vector<2x128xf32>
    %concatenate3A = tpu.concatenate %broadcast_in_dim3A, %broadcast_in_dim3A_19 in 0 : vector<1x128xf32>, vector<1x128xf32> -> vector<2x128xf32>
    %add3A_23 = arith.addf %get3A_22, %concatenate3A : vector<2x128xf32>
    %swap3A_24 = arith.constant 0 : index
    %swap3A_25 = arith.constant 0 : index
    %swap3A_26 = vector.load %arg5[%swap3A_24, %swap3A_25] : memref<2x128xf32, #tpu.memory_space<vmem>>, vector<2x128xf32>
    tpu.vector_store %arg5[%swap3A_24, %swap3A_25], %add3A_23 {strides = array<i32>} : memref<2x128xf32, #tpu.memory_space<vmem>>, vector<2x128xf32>,
    return
  }
  func.func @transform_0(%arg0: i32) -> (i32, i32) {
    %c0_i32 = arith.constant 0 : i32
    %c0_i32_0 = arith.constant 0 : i32
    return %arg0, %c0_i32 : i32, i32
  }
  func.func @transform_1(%arg0: i32) -> (i32, i32) {
    %c0_i32 = arith.constant 0 : i32
    %c0_i32_0 = arith.constant 0 : i32
    %c0_i32_1 = arith.constant 0 : i32
    return %c0_i32, %c0_i32_0 : i32, i32
  }
  func.func @transform_2(%arg0: i32) -> (i32, i32) {
    %c0_i32 = arith.constant 0 : i32
    %c0_i32_0 = arith.constant 0 : i32
    %c0_i32_1 = arith.constant 0 : i32
    return %c0_i32, %c0_i32_0 : i32, i32
  }
  func.func @transform_3(%arg0: i32) -> (i32, i32) {
    %c0_i32 = arith.constant 0 : i32
    %c0_i32_0 = arith.constant 0 : i32
    return %arg0, %c0_i32 : i32, i32
  }
  func.func @transform_4(%arg0: i32) -> (i32, i32) {
    %c0_i32 = arith.constant 0 : i32
    %c0_i32_0 = arith.constant 0 : i32
    %c0_i32_1 = arith.constant 0 : i32
    return %c0_i32, %c0_i32_0 : i32, i32
  }
}

module attributes {stable_mosaic.version = 14 : i64} {
  func.func @_k5_body(%arg0: memref<2x10000x128xf32, #tpu.memory_space<vmem>>, %arg1: memref<10000x1xf32, #tpu.memory_space<vmem>>, %arg2: memref<128x128xf32, #tpu.memory_space<vmem>>, %arg3: memref<1x128xf32, #tpu.memory_space<vmem>>, %arg4: memref<10000x128xf32, #tpu.memory_space<vmem>>, %arg5: memref<2x128xf32, #tpu.memory_space<vmem>>) attributes {dimension_semantics = [], scalar_prefetch = 0 : i64, scratch_operands = 0 : i64, tpu.core_type = #tpu.core_type<tc>} {
    %get3A = arith.constant 0 : index
    %get3A_0 = arith.constant 0 : index
    %get3A_1 = arith.constant 0 : index
    %get3A_2 = vector.load %arg0[%get3A, %get3A_0, %get3A_1] : memref<2x10000x128xf32, #tpu.memory_space<vmem>>, vector<2x10000x128xf32>
    %slice3A = vector.extract_strided_slice %get3A_2 {offsets = [0, 0, 0], sizes = [1, 10000, 128], strides = [1, 1, 1]} : vector<2x10000x128xf32> to vector<1x10000x128xf32>
    %squeeze3A = vector.shape_cast %slice3A : vector<1x10000x128xf32> to vector<10000x128xf32>
    %slice3A_3 = vector.extract_strided_slice %get3A_2 {offsets = [1, 0, 0], sizes = [1, 10000, 128], strides = [1, 1, 1]} : vector<2x10000x128xf32> to vector<1x10000x128xf32>
    %squeeze3A_4 = vector.shape_cast %slice3A_3 : vector<1x10000x128xf32> to vector<10000x128xf32>
    %add3A = arith.addf %squeeze3A, %squeeze3A_4 : vector<10000x128xf32>
    %get3A_5 = arith.constant 0 : index
    %get3A_6 = arith.constant 0 : index
    %get3A_7 = vector.load %arg1[%get3A_5, %get3A_6] : memref<10000x1xf32, #tpu.memory_space<vmem>>, vector<10000x1xf32>
    %get3A_8 = arith.constant 0 : index
    %get3A_9 = arith.constant 0 : index
    %get3A_10 = vector.load %arg2[%get3A_8, %get3A_9] : memref<128x128xf32, #tpu.memory_space<vmem>>, vector<128x128xf32>
    %dot_general3A = arith.constant dense<0.000000e+00> : vector<10000x128xf32>
    %dot_general3A_11 = tpu.matmul %add3A, %get3A_10, %dot_general3A {dimension_numbers = #tpu.dot_dimension_numbers<[1], [0], [0], [1], [0, 0, 1, 1], [], []>, precision = #tpu.contract_precision<fp32>, transpose_lhs_hint = false} : vector<10000x128xf32>, vector<128x128xf32>, vector<10000x128xf32> -> vector<10000x128xf32>
    %get3A_12 = arith.constant 0 : index
    %get3A_13 = arith.constant 0 : index
    %get3A_14 = vector.load %arg3[%get3A_12, %get3A_13] : memref<1x128xf32, #tpu.memory_space<vmem>>, vector<1x128xf32>
    %mul3A = vector.broadcast %get3A_7 : vector<10000x1xf32> to vector<10000x128xf32>
    %mul3A_15 = vector.broadcast %get3A_14 : vector<1x128xf32> to vector<10000x128xf32>
    %mul3A_16 = arith.mulf %mul3A, %mul3A_15 : vector<10000x128xf32>
    %add3A_17 = arith.addf %dot_general3A_11, %mul3A_16 : vector<10000x128xf32>
    %max3A = arith.constant 1.000000e+00 : f32
    %max3A_18 = vector.broadcast %max3A : f32 to vector<10000x1xf32>
    %max3A_19 = arith.maximumf %get3A_7, %max3A_18 : vector<10000x1xf32>
    %div3A = vector.broadcast %max3A_19 : vector<10000x1xf32> to vector<10000x128xf32>
    %div3A_20 = arith.divf %add3A_17, %div3A : vector<10000x128xf32>
    %swap3A = arith.constant 0 : index
    %swap3A_21 = arith.constant 0 : index
    %swap3A_22 = vector.load %arg4[%swap3A, %swap3A_21] : memref<10000x128xf32, #tpu.memory_space<vmem>>, vector<10000x128xf32>
    tpu.vector_store %arg4[%swap3A, %swap3A_21], %div3A_20 {strides = array<i32>} : memref<10000x128xf32, #tpu.memory_space<vmem>>, vector<10000x128xf32>,
    %reduce_sum3A = arith.constant dense<0.000000e+00> : vector<128xf32>
    %reduce_sum3A_23 = vector.multi_reduction <add>, %div3A_20, %reduce_sum3A [0] : vector<10000x128xf32> to vector<128xf32>
    %broadcast_in_dim3A = vector.shape_cast %reduce_sum3A_23 : vector<128xf32> to vector<1x128xf32>
    %mul3A_24 = arith.mulf %div3A_20, %div3A_20 : vector<10000x128xf32>
    %reduce_sum3A_25 = arith.constant dense<0.000000e+00> : vector<128xf32>
    %reduce_sum3A_26 = vector.multi_reduction <add>, %mul3A_24, %reduce_sum3A_25 [0] : vector<10000x128xf32> to vector<128xf32>
    %broadcast_in_dim3A_27 = vector.shape_cast %reduce_sum3A_26 : vector<128xf32> to vector<1x128xf32>
    %concatenate3A = tpu.concatenate %broadcast_in_dim3A, %broadcast_in_dim3A_27 in 0 : vector<1x128xf32>, vector<1x128xf32> -> vector<2x128xf32>
    %swap3A_28 = arith.constant 0 : index
    %swap3A_29 = arith.constant 0 : index
    %swap3A_30 = vector.load %arg5[%swap3A_28, %swap3A_29] : memref<2x128xf32, #tpu.memory_space<vmem>>, vector<2x128xf32>
    tpu.vector_store %arg5[%swap3A_28, %swap3A_29], %concatenate3A {strides = array<i32>} : memref<2x128xf32, #tpu.memory_space<vmem>>, vector<2x128xf32>,
    return
  }
}

module attributes {stable_mosaic.version = 14 : i64} {
  func.func @_k6_body(%arg0: memref<10000x128xf32, #tpu.memory_space<vmem>>, %arg1: memref<10000x128xf32, #tpu.memory_space<vmem>>, %arg2: memref<128x128xf32, #tpu.memory_space<vmem>>, %arg3: memref<128x128xf32, #tpu.memory_space<vmem>>, %arg4: memref<1x128xf32, #tpu.memory_space<vmem>>, %arg5: memref<128x128xf32, #tpu.memory_space<vmem>>, %arg6: memref<1x128xf32, #tpu.memory_space<vmem>>, %arg7: memref<1x128xf32, #tpu.memory_space<vmem>>, %arg8: memref<1x128xf32, #tpu.memory_space<vmem>>, %arg9: memref<128x128xf32, #tpu.memory_space<vmem>>, %arg10: memref<1x128xf32, #tpu.memory_space<vmem>>, %arg11: memref<1x128xf32, #tpu.memory_space<vmem>>, %arg12: memref<1x128xf32, #tpu.memory_space<vmem>>, %arg13: memref<10000x128xf32, #tpu.memory_space<vmem>>) attributes {dimension_semantics = [], scalar_prefetch = 0 : i64, scratch_operands = 0 : i64, tpu.core_type = #tpu.core_type<tc>} {
    %get3A = arith.constant 0 : index
    %get3A_0 = arith.constant 0 : index
    %get3A_1 = vector.load %arg0[%get3A, %get3A_0] : memref<10000x128xf32, #tpu.memory_space<vmem>>, vector<10000x128xf32>
    %get3A_2 = arith.constant 0 : index
    %get3A_3 = arith.constant 0 : index
    %get3A_4 = vector.load %arg2[%get3A_2, %get3A_3] : memref<128x128xf32, #tpu.memory_space<vmem>>, vector<128x128xf32>
    %dot_general3A = arith.constant dense<0.000000e+00> : vector<10000x128xf32>
    %dot_general3A_5 = tpu.matmul %get3A_1, %get3A_4, %dot_general3A {dimension_numbers = #tpu.dot_dimension_numbers<[1], [0], [0], [1], [0, 0, 1, 1], [], []>, precision = #tpu.contract_precision<fp32>, transpose_lhs_hint = false} : vector<10000x128xf32>, vector<128x128xf32>, vector<10000x128xf32> -> vector<10000x128xf32>
    %get3A_6 = arith.constant 0 : index
    %get3A_7 = arith.constant 0 : index
    %get3A_8 = vector.load %arg1[%get3A_6, %get3A_7] : memref<10000x128xf32, #tpu.memory_space<vmem>>, vector<10000x128xf32>
    %get3A_9 = arith.constant 0 : index
    %get3A_10 = arith.constant 0 : index
    %get3A_11 = vector.load %arg3[%get3A_9, %get3A_10] : memref<128x128xf32, #tpu.memory_space<vmem>>, vector<128x128xf32>
    %dot_general3A_12 = arith.constant dense<0.000000e+00> : vector<10000x128xf32>
    %dot_general3A_13 = tpu.matmul %get3A_8, %get3A_11, %dot_general3A_12 {dimension_numbers = #tpu.dot_dimension_numbers<[1], [0], [0], [1], [0, 0, 1, 1], [], []>, precision = #tpu.contract_precision<fp32>, transpose_lhs_hint = false} : vector<10000x128xf32>, vector<128x128xf32>, vector<10000x128xf32> -> vector<10000x128xf32>
    %add3A = arith.addf %dot_general3A_5, %dot_general3A_13 : vector<10000x128xf32>
    %get3A_14 = arith.constant 0 : index
    %get3A_15 = arith.constant 0 : index
    %get3A_16 = vector.load %arg4[%get3A_14, %get3A_15] : memref<1x128xf32, #tpu.memory_space<vmem>>, vector<1x128xf32>
    %add3A_17 = vector.broadcast %get3A_16 : vector<1x128xf32> to vector<10000x128xf32>
    %add3A_18 = arith.addf %add3A, %add3A_17 : vector<10000x128xf32>
    %max3A = arith.constant 0.000000e+00 : f32
    %max3A_19 = vector.broadcast %max3A : f32 to vector<10000x128xf32>
    %max3A_20 = arith.maximumf %add3A_18, %max3A_19 : vector<10000x128xf32>
    %reduce_sum3A = arith.constant dense<0.000000e+00> : vector<128xf32>
    %reduce_sum3A_21 = vector.multi_reduction <add>, %max3A_20, %reduce_sum3A [0] : vector<10000x128xf32> to vector<128xf32>
    %broadcast_in_dim3A = vector.shape_cast %reduce_sum3A_21 : vector<128xf32> to vector<1x128xf32>
    %div3A = arith.constant 1.000000e+04 : f32
    %div3A_22 = vector.broadcast %div3A : f32 to vector<1x128xf32>
    %div3A_23 = arith.divf %broadcast_in_dim3A, %div3A_22 : vector<1x128xf32>
    %sub3A = vector.broadcast %div3A_23 : vector<1x128xf32> to vector<10000x128xf32>
    %sub3A_24 = arith.subf %max3A_20, %sub3A : vector<10000x128xf32>
    %integer_pow3A = arith.mulf %sub3A_24, %sub3A_24 : vector<10000x128xf32>
    %reduce_sum3A_25 = arith.constant dense<0.000000e+00> : vector<128xf32>
    %reduce_sum3A_26 = vector.multi_reduction <add>, %integer_pow3A, %reduce_sum3A_25 [0] : vector<10000x128xf32> to vector<128xf32>
    %broadcast_in_dim3A_27 = vector.shape_cast %reduce_sum3A_26 : vector<128xf32> to vector<1x128xf32>
    %div3A_28 = arith.constant 1.000000e+04 : f32
    %div3A_29 = vector.broadcast %div3A_28 : f32 to vector<1x128xf32>
    %div3A_30 = arith.divf %broadcast_in_dim3A_27, %div3A_29 : vector<1x128xf32>
    %sub3A_31 = vector.broadcast %div3A_23 : vector<1x128xf32> to vector<10000x128xf32>
    %sub3A_32 = arith.subf %max3A_20, %sub3A_31 : vector<10000x128xf32>
    %add3A_33 = arith.constant 9.99999974E-6 : f32
    %add3A_34 = vector.broadcast %add3A_33 : f32 to vector<1x128xf32>
    %add3A_35 = arith.addf %div3A_30, %add3A_34 : vector<1x128xf32>
    %sqrt3A = math.sqrt %add3A_35 : vector<1x128xf32>
    %div3A_36 = vector.broadcast %sqrt3A : vector<1x128xf32> to vector<10000x128xf32>
    %div3A_37 = arith.divf %sub3A_32, %div3A_36 : vector<10000x128xf32>
    %get3A_38 = arith.constant 0 : index
    %get3A_39 = arith.constant 0 : index
    %get3A_40 = vector.load %arg7[%get3A_38, %get3A_39] : memref<1x128xf32, #tpu.memory_space<vmem>>, vector<1x128xf32>
    %mul3A = vector.broadcast %get3A_40 : vector<1x128xf32> to vector<10000x128xf32>
    %mul3A_41 = arith.mulf %div3A_37, %mul3A : vector<10000x128xf32>
    %get3A_42 = arith.constant 0 : index
    %get3A_43 = arith.constant 0 : index
    %get3A_44 = vector.load %arg8[%get3A_42, %get3A_43] : memref<1x128xf32, #tpu.memory_space<vmem>>, vector<1x128xf32>
    %add3A_45 = vector.broadcast %get3A_44 : vector<1x128xf32> to vector<10000x128xf32>
    %add3A_46 = arith.addf %mul3A_41, %add3A_45 : vector<10000x128xf32>
    %get3A_47 = arith.constant 0 : index
    %get3A_48 = arith.constant 0 : index
    %get3A_49 = vector.load %arg5[%get3A_47, %get3A_48] : memref<128x128xf32, #tpu.memory_space<vmem>>, vector<128x128xf32>
    %dot_general3A_50 = arith.constant dense<0.000000e+00> : vector<10000x128xf32>
    %dot_general3A_51 = tpu.matmul %add3A_46, %get3A_49, %dot_general3A_50 {dimension_numbers = #tpu.dot_dimension_numbers<[1], [0], [0], [1], [0, 0, 1, 1], [], []>, precision = #tpu.contract_precision<fp32>, transpose_lhs_hint = false} : vector<10000x128xf32>, vector<128x128xf32>, vector<10000x128xf32> -> vector<10000x128xf32>
    %get3A_52 = arith.constant 0 : index
    %get3A_53 = arith.constant 0 : index
    %get3A_54 = vector.load %arg6[%get3A_52, %get3A_53] : memref<1x128xf32, #tpu.memory_space<vmem>>, vector<1x128xf32>
    %add3A_55 = vector.broadcast %get3A_54 : vector<1x128xf32> to vector<10000x128xf32>
    %add3A_56 = arith.addf %dot_general3A_51, %add3A_55 : vector<10000x128xf32>
    %max3A_57 = arith.constant 0.000000e+00 : f32
    %max3A_58 = vector.broadcast %max3A_57 : f32 to vector<10000x128xf32>
    %max3A_59 = arith.maximumf %add3A_56, %max3A_58 : vector<10000x128xf32>
    %reduce_sum3A_60 = arith.constant dense<0.000000e+00> : vector<128xf32>
    %reduce_sum3A_61 = vector.multi_reduction <add>, %max3A_59, %reduce_sum3A_60 [0] : vector<10000x128xf32> to vector<128xf32>
    %broadcast_in_dim3A_62 = vector.shape_cast %reduce_sum3A_61 : vector<128xf32> to vector<1x128xf32>
    %div3A_63 = arith.constant 1.000000e+04 : f32
    %div3A_64 = vector.broadcast %div3A_63 : f32 to vector<1x128xf32>
    %div3A_65 = arith.divf %broadcast_in_dim3A_62, %div3A_64 : vector<1x128xf32>
    %sub3A_66 = vector.broadcast %div3A_65 : vector<1x128xf32> to vector<10000x128xf32>
    %sub3A_67 = arith.subf %max3A_59, %sub3A_66 : vector<10000x128xf32>
    %integer_pow3A_68 = arith.mulf %sub3A_67, %sub3A_67 : vector<10000x128xf32>
    %reduce_sum3A_69 = arith.constant dense<0.000000e+00> : vector<128xf32>
    %reduce_sum3A_70 = vector.multi_reduction <add>, %integer_pow3A_68, %reduce_sum3A_69 [0] : vector<10000x128xf32> to vector<128xf32>
    %broadcast_in_dim3A_71 = vector.shape_cast %reduce_sum3A_70 : vector<128xf32> to vector<1x128xf32>
    %div3A_72 = arith.constant 1.000000e+04 : f32
    %div3A_73 = vector.broadcast %div3A_72 : f32 to vector<1x128xf32>
    %div3A_74 = arith.divf %broadcast_in_dim3A_71, %div3A_73 : vector<1x128xf32>
    %sub3A_75 = vector.broadcast %div3A_65 : vector<1x128xf32> to vector<10000x128xf32>
    %sub3A_76 = arith.subf %max3A_59, %sub3A_75 : vector<10000x128xf32>
    %add3A_77 = arith.constant 9.99999974E-6 : f32
    %add3A_78 = vector.broadcast %add3A_77 : f32 to vector<1x128xf32>
    %add3A_79 = arith.addf %div3A_74, %add3A_78 : vector<1x128xf32>
    %sqrt3A_80 = math.sqrt %add3A_79 : vector<1x128xf32>
    %div3A_81 = vector.broadcast %sqrt3A_80 : vector<1x128xf32> to vector<10000x128xf32>
    %div3A_82 = arith.divf %sub3A_76, %div3A_81 : vector<10000x128xf32>
    %get3A_83 = arith.constant 0 : index
    %get3A_84 = arith.constant 0 : index
    %get3A_85 = vector.load %arg11[%get3A_83, %get3A_84] : memref<1x128xf32, #tpu.memory_space<vmem>>, vector<1x128xf32>
    %mul3A_86 = vector.broadcast %get3A_85 : vector<1x128xf32> to vector<10000x128xf32>
    %mul3A_87 = arith.mulf %div3A_82, %mul3A_86 : vector<10000x128xf32>
    %get3A_88 = arith.constant 0 : index
    %get3A_89 = arith.constant 0 : index
    %get3A_90 = vector.load %arg12[%get3A_88, %get3A_89] : memref<1x128xf32, #tpu.memory_space<vmem>>, vector<1x128xf32>
    %add3A_91 = vector.broadcast %get3A_90 : vector<1x128xf32> to vector<10000x128xf32>
    %add3A_92 = arith.addf %mul3A_87, %add3A_91 : vector<10000x128xf32>
    %get3A_93 = arith.constant 0 : index
    %get3A_94 = arith.constant 0 : index
    %get3A_95 = vector.load %arg9[%get3A_93, %get3A_94] : memref<128x128xf32, #tpu.memory_space<vmem>>, vector<128x128xf32>
    %dot_general3A_96 = arith.constant dense<0.000000e+00> : vector<10000x128xf32>
    %dot_general3A_97 = tpu.matmul %add3A_92, %get3A_95, %dot_general3A_96 {dimension_numbers = #tpu.dot_dimension_numbers<[1], [0], [0], [1], [0, 0, 1, 1], [], []>, precision = #tpu.contract_precision<fp32>, transpose_lhs_hint = false} : vector<10000x128xf32>, vector<128x128xf32>, vector<10000x128xf32> -> vector<10000x128xf32>
    %get3A_98 = arith.constant 0 : index
    %get3A_99 = arith.constant 0 : index
    %get3A_100 = vector.load %arg10[%get3A_98, %get3A_99] : memref<1x128xf32, #tpu.memory_space<vmem>>, vector<1x128xf32>
    %add3A_101 = vector.broadcast %get3A_100 : vector<1x128xf32> to vector<10000x128xf32>
    %add3A_102 = arith.addf %dot_general3A_97, %add3A_101 : vector<10000x128xf32>
    %swap3A = arith.constant 0 : index
    %swap3A_103 = arith.constant 0 : index
    %swap3A_104 = vector.load %arg13[%swap3A, %swap3A_103] : memref<10000x128xf32, #tpu.memory_space<vmem>>, vector<10000x128xf32>
    tpu.vector_store %arg13[%swap3A, %swap3A_103], %add3A_102 {strides = array<i32>} : memref<10000x128xf32, #tpu.memory_space<vmem>>, vector<10000x128xf32>,
    return
  }
}

</mosaic_0001>

<sc_bundles>
// kernel: kernel.10.cloned.1.call-start
scs
__scs_entry_jumppad:
0x0: {  	(pc) =	sbr.rel $0x88, $3  }
0x1: {  	(tag) =	ssettag $0x0;
	lr =	simm.s32 $0x1  }
0x2: {  	[smem:$0x3F86] =	sst lr;
	_ =	strace $0xD0000000  }
0x3: {  	_ = 	snop  }
0x4: {  	_ = 	snop  }
0x5: {  	_ = 	snop  }
0x6: {  	_ = 	snop  }
0x7: {  	_ = 	snop  }
__scs_overlays_trampoline_lowered:
0x8: {  	[smem:$0x3F95] =	sst s0  }
0x9: {  	[smem:$0x3F96] =	sst s1  }
0xa: {  	[smem:$0x3F97] =	sst s2  }
0xb: {  	[smem:$0x3F98] =	sst s3  }
0xc: {  	[smem:$0x3F99] =	sst s4  }
0xd: {  	[smem:$0x3F9A] =	sst s5  }
0xe: {  	[smem:$0x3F9B] =	sst s6  }
0xf: {  	[smem:$0x3F9C] =	sst s7  }
0x10: {  	[smem:$0x3F9D] =	sst s8  }
0x11: {  	[smem:$0x3F9E] =	sst s9;
	s0 =	simm.s32 @!p0 $0x0  }
0x12: {  	s1 =	sld [smem:$0x3F84];
	s0 =	simm.s32 @p0 $0x1  }
0x13: {  	[smem:$0x3F9F] =	sst s0;
	s0 =	simm.s32 @!p1 $0x0  }
0x14: {  	s2 =	sld [smem:$0x3F83];
	s0 =	simm.s32 @p1 $0x1  }
0x15: {  	[smem:$0x3FA0] =	sst s0;
	s0 =	simm.s32 @!p2 $0x0  }
0x16: {  	s3 =	sld [smem:$0x3FDB];
	s0 =	simm.s32 @p2 $0x1  }
0x17: {  	s4 =	simm.s32 $0x1BF5;
	[smem:$0x3FA2] =	sst s0  }
0x18: {  	s0 =	sld [smem:$0x3F85];
	_ =	swait.ge [sflag:s4], $0x0  }
0x19: {  	s7 =	sld [smem:$0x3F86]  }
0x1a: {  	s8 =	sadd.s32 $0xFFFFE003, lr  }
0x1b: {  	s9 =	sadd.s32 $0xFFFFFEF7, lr;
	s5 =	simm.s32 $0xFFFFFFFF;
	p2 =	slt.u32 s8, $0xFFFFF086  }
0x1c: {  	p1 =	slt.u32 s9, $0xF7A;
	s5 =	simm.s32 @!p2 $0x0  }
0x1d: {  	s5 =	simm.s32 @p1 $0x1;
	p0 =	seq.s32 s7, s2  }
0x1e: {  	s7 =	smul.u32 @!p0 $0xF7A, s2;
	p2 =	seq.s32 @!p0 s5, $0x0  }
0x1f: {  	s9 =	smul.u32 $0xF7A, s1;
	s8 =	simm.s32 @!p0 $0x1BF5;
	p2 =	por !p2, p0  }
0x20: {  	[sflag:s8] =	ssyncset.s32 @!p0 $0xFFFFF086;
	s6 =	sadd.s32 @!p0 s3, s7;
	s7 =	simm.s32 @!p0 $0x108  }
0x21: {  	s3 =	sadd.s32 s3, s9;
	s6 =	sadd.s32 @!p0 $0x88, s6;
	s7 =	simm.s32 @p2 $0x1082  }
0x22: {  	[simem:s7], [sflag:s8] =	dma.local @!p0 [hbm:s6], $0xF7A  }
0x23: {  	s9 =	sor.u32 $0xD0000000, s2;
	s6 =	simm.s32 $0x108;
	_ =	swait.ge @!p0 [sflag:s8], $0x0  }
0x24: {  	s3 =	sadd.s32 $0x88, s3;
	s6 =	simm.s32 @!p1 $0x1082;
	[sflag:s4] =	ssyncset.s32 $0xFFFFF086  }
0x25: {  	[simem:s6], [sflag:s4] =	dma.local [hbm:s3], $0xF7A  }
0x26: {  	[smem:$0x3F86] =	sst s1;
	(tag) =	ssettag s2;
	_ =	strace s9  }
0x27: {  	s1 =	sld [smem:$0x3F96]  }
0x28: {  	s2 =	sld [smem:$0x3F97]  }
0x29: {  	s4 =	sld [smem:$0x3F99]  }
0x2a: {  	p0 =	seq.s32 s5, $0x0;
	s5 =	sld [smem:$0x3F9A]  }
0x2b: {  	s6 =	sld [smem:$0x3F9B]  }
0x2c: {  	s7 =	sld [smem:$0x3F9C]  }
0x2d: {  	s3 =	simm.s32 $0x108;
	s8 =	sld [smem:$0x3F9D]  }
0x2e: {  	s3 =	simm.s32 @!p0 $0x1082;
	s9 =	sld [smem:$0x3F9E]  }
0x2f: {  	lr =	sadd.s32 s0, s3;
	s0 =	sld [smem:$0x3F95]  }
0x30: {  	s3 =	sld [smem:$0x3F98]  }
0x31: {  	[smem:$0x3FA1] =	sst s10  }
0x32: {  	s10 =	sld [smem:$0x3F9F];
	_ =	sdelay $0x3  }
0x33: {  	p0 =	seq.s32 s10, $0x1;
	s10 =	sld [smem:$0x3FA1];
	_ =	sdelay $0x3  }
0x34: {  	[smem:$0x3FA1] =	sst s10  }
0x35: {  	s10 =	sld [smem:$0x3FA0];
	_ =	sdelay $0x3  }
0x36: {  	p1 =	seq.s32 s10, $0x1;
	s10 =	sld [smem:$0x3FA1];
	_ =	sdelay $0x3  }
0x37: {  	[smem:$0x3FA1] =	sst s10  }
0x38: {  	s10 =	sld [smem:$0x3FA2]  }
0x39: {  	_ = 	snop;
	(pc) =	sbr.ind lr, $3  }
0x3a: {  	_ = 	snop  }
0x3b: {  	_ = 	snop  }
0x3c: {  	p2 =	seq.s32 s10, $0x1;
	s10 =	sld [smem:$0x3FA1]  }
0x3d: {  	_ =	shalt  }
0x3e: {  	_ =	shalt  }
0x3f: {  	_ =	shalt  }
0x40: {  	_ =	shalt  }
0x41: {  	_ =	shalt  }
0x42: {  	_ =	shalt  }
0x43: {  	_ =	shalt  }
0x44: {  	_ =	shalt  }
0x45: {  	_ =	shalt  }
0x46: {  	_ =	shalt  }
0x47: {  	_ =	shalt  }
0x48: {  	_ =	shalt  }
0x49: {  	_ =	shalt  }
0x4a: {  	_ =	shalt  }
0x4b: {  	_ =	shalt  }
0x4c: {  	_ =	shalt  }
0x4d: {  	_ =	shalt  }
0x4e: {  	_ =	shalt  }
0x4f: {  	_ =	shalt  }
0x50: {  	_ =	shalt  }
0x51: {  	_ =	shalt  }
0x52: {  	_ =	shalt  }
0x53: {  	_ =	shalt  }
0x54: {  	_ =	shalt  }
0x55: {  	_ =	shalt  }
0x56: {  	_ =	shalt  }
0x57: {  	_ =	shalt  }
0x58: {  	_ =	shalt  }
0x59: {  	_ =	shalt  }
0x5a: {  	_ =	shalt  }
0x5b: {  	_ =	shalt  }
0x5c: {  	_ =	shalt  }
0x5d: {  	_ =	shalt  }
0x5e: {  	_ =	shalt  }
0x5f: {  	_ =	shalt  }
0x60: {  	_ =	shalt  }
0x61: {  	_ =	shalt  }
0x62: {  	_ =	shalt  }
0x63: {  	_ =	shalt  }
0x64: {  	_ =	shalt  }
0x65: {  	_ =	shalt  }
0x66: {  	_ =	shalt  }
0x67: {  	_ =	shalt  }
0x68: {  	_ =	shalt  }
0x69: {  	_ =	shalt  }
0x6a: {  	_ =	shalt  }
0x6b: {  	_ =	shalt  }
0x6c: {  	_ =	shalt  }
0x6d: {  	_ =	shalt  }
0x6e: {  	_ =	shalt  }
0x6f: {  	_ =	shalt  }
0x70: {  	_ =	shalt  }
0x71: {  	_ =	shalt  }
0x72: {  	_ =	shalt  }
0x73: {  	_ =	shalt  }
0x74: {  	_ =	shalt  }
0x75: {  	_ =	shalt  }
0x76: {  	_ =	shalt  }
0x77: {  	_ =	shalt  }
0x78: {  	_ =	shalt  }
0x79: {  	_ =	shalt  }
0x7a: {  	_ =	shalt  }
0x7b: {  	_ =	shalt  }
0x7c: {  	_ =	shalt  }
0x7d: {  	_ =	shalt  }
0x7e: {  	_ =	shalt  }
0x7f: {  	_ =	shalt  }
0x80: {  	_ =	shalt  }
0x81: {  	_ =	shalt  }
0x82: {  	_ =	shalt  }
0x83: {  	_ =	shalt  }
0x84: {  	_ =	shalt  }
0x85: {  	_ =	shalt  }
0x86: {  	_ =	shalt  }
0x87: {  	_ =	shalt  }
.Lfunc_end0:
.L_simem_size_0:
called_computation_lowered:
.L_overlay_start_0:
0x88: {  	s2 =	sld [smem:$0x3FD9]  }
0x89: {  	s3 =	sld [smem:$0x3FFE];
	_ =	sdelay $0x1  }
0x8a: {  	s1 =	srdreg.scid  }
0x8b: {  	s0 =	sand.u32 $0x1, s1  }
0x8c: {  	s17 =	sshll.u32 s0, $0xA;
	s2 =	sadd.s32 s3, s2  }
0x8d: {  	s2 =	sadd.s32 s2, s17  }
0x8e: {  	[smem:$0x3FAD] =	sst s2  }
0x8f: {  	_ = 	snop  }
0x90: {  	s2 =	sld [smem:$0x3FC9]  }
0x91: {  	s18 =	sld [smem:$0x3FD0];
	(tm) =	ssettm $0x1  }
0x92: {  	s4 =	sld [smem:$0x3FFB];
	_ =	sdelay $0x3  }
0x93: {  	_ =	strace s4  }
0x94: {  	s4 =	sld [smem:$0x3FFC];
	_ =	sdelay $0x3  }
0x95: {  	_ =	strace s4  }
0x96: {  	s4 =	sld [smem:$0x3FFD];
	_ =	sdelay $0x3  }
0x97: {  	_ =	strace s4  }
0x98: {  	_ =	strace $0x8FFFFFFF  }
0x99: {  	s19 =	sld [smem:$0x3FDB];
	_ =	sdelay $0x1  }
0x9a: {  	s5 =	simm.s32 $_scs_section_size  }
0x9b: {  	s6 =	simm.s32 $_size__tile_overlayer_lowered;
	s7 =	simm.s32 $_tile_overlayer_lowered  }
0x9c: {  	s22 =	simm.s32 $0x1BFF;
	s21 =	sshll.u32 s7, $0x1;
	s4 =	sadd.s32 s5, s19  }
0x9d: {  	s8 =	simm.s32 $0x0;
	s20 =	sshll.u32 s6, $0x1;
	s6 =	sadd.s32 s21, s4  }
0x9e: {  	[timem:s8], [sflag:s22] =	dma.local [hbm:s6], s20  }
0x9f: {  	_ =	swait.ge [sflag:s22], s20  }
0xa0: {  	s5 =	ssub.s32 $0x0, s20;
	[sflag:s22] =	ssyncset.done $0x0  }
0xa1: {  	[sflag:s22] =	ssyncadd.s32 s5;
	_ =	sdelay $0x1  }
0xa2: {  	s23 =	simm.s32 $0x1B8B  }
0xa3: {  	_ =	swait.ge [sflag:s23], $0x1  }
0xa4: {  	[sflag:s23] =	ssyncset.done $0x0  }
0xa5: {  	s25 =	simm.s32 $0x1B8E;
	s24 =	sld [smem:$0x3FFE];
	[sflag:s23] =	ssyncadd.s32 $0xFFFFFFFF  }
0xa6: {  	s26 =	simm.s32 $execute0_lowered;
	[smem:$0x3FD2] =	sst s25  }
0xa7: {  	s6 =	sshll.u32 s26, $0x1;
	_ =	strace $0x80000046;
	[dreg:$0x1] =	wrdreg $0xFFFFFFFF  }
0xa8: {  	s28 =	simm.s32 $_size_execute0_lowered;
	s4 =	sadd.s32 s4, s6;
	[dreg:$0x0] =	wrdreg $0x0  }
0xa9: {  	s6 =	sshll.u32 s28, $0x1;
	[dreg:$0x2] =	wrdreg s4  }
0xaa: {  	[dreg:$0x3] =	wrdreg s6  }
0xab: {  	[dreg:$0x4] =	wrdreg $0xC0  }
0xac: {  	_ =	task [dreg:s8], $0x5FFFF  }
0xad: {  	[dreg:$0x1] =	wrdreg $0xFFFFFFFF  }
0xae: {  	[dreg:$0x0] =	wrdreg $0x60  }
0xaf: {  	[dreg:$0x2] =	wrdreg s2  }
0xb0: {  	[dreg:$0x3] =	wrdreg s18  }
0xb1: {  	[dreg:$0x4] =	wrdreg s24  }
0xb2: {  	[dreg:$0x5] =	wrdreg $0x9  }
0xb3: {  	_ =	task.clear_ibuf [dreg:s8], $0x6FFFF;
	_ =	strace $0x90000046  }
0xb4: {  	s29 =	simm.s32 $0x9;
	_ =	strace $0x80000048  }
0xb5: {  	_ =	swait.ge [sflag:s29], $0x1  }
0xb6: {  	[sflag:s29] =	ssyncadd.s32 $0xFFFFFFFF  }
0xb7: {  	_ =	strace $0x90000048  }
0xb8: {  	_ =	sfence  }
0xb9: {  	s30 =	sld [smem:$0x0];
	_ =	sdelay $0x2  }
0xba: {  	s31 =	sshll.u32 s1, $0xD;
	s1 =	sshrl.u32 s1, $0x2  }
0xbb: {  	s3 =	sand.u32 $0x4000, s31;
	s1 =	sadd.s32 s1, s30  }
0xbc: {  	s0 =	sor.u32 s3, s0;
	s1 =	sshll.u32 s1, $0x11  }
0xbd: {  	s0 =	sor.u32 s1, s0  }
0xbe: {  	s0 =	sadd.s32 $0x8F2B, s0  }
0xbf: {  	[sflag:s0] =	ssyncadd.remote.s32 $0x1  }
0xc0: {  	_ =	sfence.sel $0xFFFF  }
0xc1: {  	[dreg:$0x0] =	wrdreg $0xFFFFFFFF;
	(pc) =	sbr.abs _section_cstart, $3  }
0xc2: {  	[dreg:$0x1] =	wrdreg $0xFFFFFFFF  }
0xc3: {  	_ =	task.clear_ibuf [dreg:s8], $0x2FFFF;
	_ =	strace $0x9FFFFFFF  }
0xc4: {  	(tm) =	ssettm $0x7FFFFFFF  }
0xc5: {  	_ =	shalt  }
tec
execute0_lowered:
.L_overlay_start_1:
0x0: {  	(tag) =	ssettag $0x1  }
0x1: {  	s1 =	rddreg [dreg:$0x0]  }
0x2: {  	s4 =	rddreg [dreg:$0x1];
	s0 =	stileid.u32  }
0x3: {  	s2 =	srdreg.scid;
	s5 =	rddreg [dreg:$0x2];
	s13 =	simm.s32 $0x80  }
0x4: {  	s14 =	simm.s32 $0x400;
	s15 =	simm.s32 $0x0;
	s6 =	sand.u32 $0x1, s2  }
0x5: {  	s3 =	sshll.u32 s0, $0x1;
	s8 =	sshrl.u32 s0, $0x2;
	s10 =	smul.u32 $0x4E200, s0  }
0x6: {  	s2 =	rddreg [dreg:$0x3];
	s7 =	sor.u32 s6, s3;
	s8 =	smul.u32 $0x13C00, s8  }
0x7: {  	s3 =	simm.s32 $0x0;
	s29 =	ssub.s32 $0x2, s6;
	s12 =	smul.u32 $0x27100, s6  }
0x8: {  	s9 =	sshll.u32 s7, $0x7;
	[smem:$0x7FF] =	sst s3;
	s28 =	sadd.s32 s10, s5  }
0x9: {  	s11 =	sshrl.u32 s29, $0x1;
	s7 =	sshll.u32 s7, $0xB;
	s10 =	simm.s32 $0x4000  }
0xa: {  	s9 =	sand.u32 $0x380, s9;
	_ =	strace $0x80000047;
	s30 =	ssub.s32 s29, s11  }
0xb: {  	s4 =	sadd.s32 s4, s7;
	s31 =	sadd.s32 s12, s28;
	s8 =	sor.u32 s8, s9  }
0xc: {  	s11 =	simm.s32 $0x1;
	s12 =	simm.s32 $0x6800;
	s8 =	sshrl.u32 s8, $0x3  }
0xd: {  	s6 =	smax.u32 s30, $0x1;
	s7 =	sadd.s32 $0xF200, s31;
	s5 =	sadd.s32 s8, s5  }
0xe: {  	v0 =	vimm.f32 $0.0e+00;
	v1 =	vimm.f32 $1.000000000e+00;
	s9 =	simm.s32 $0x50;
	s8 =	simm.s32 $0x2;
	s5 =	sadd.s32 $0x5400, s5  }
.LBB2_1:
0xf: {  	[tilespmem:s3], [sflag:$0x2] =	stream.linear.gather [hbm4b:s4+s3], $0x3E80, $0x38;
	[tilespmem:$0x8F80] =	vst v63  }
0x10: {  	_ =	swait.ge [sflag:s8], $0x3E80  }
0x11: {  	[sflag:s8] =	ssyncset.done $0x0  }
0x12: {  	s16 =	simm.s32 $0x0;
	[sflag:s8] =	ssyncadd.s32 $0xFFFFC180  }
.LBB2_2:
0x13: {  	p0 =	sne.s32 s16, $0x9C00  }
.Ltmp0:
0x14: {  	_ = 	snop;
	(pc) =	sbr.rel @p0 .LBB2_2-.Ltmp0, $3  }
0x15: {  	_ =	sdelay $0x1  }
0x16: {  	s17 =	sshra.s32 s16, $0x2  }
0x17: {  	s16 =	sadd.s32 $0x40, s16;
	[tilespmem:s17+$0x6800] =	vst v0  }
0x18: {  	s16 =	simm.s32 $0x0;
	s17 =	simm.s32 $0x0  }
.LBB2_4:
0x19: {  	[tilespmem:s10], [sflag:$0x1] =	stream.indirect.gather [hbm4b:s1+s9], $0x80, s16, s9, $0xb8;
	[tilespmem:$0x8F80] =	vst v63  }
0x1a: {  	_ =	swait.ge [sflag:s11], $0x2800  }
0x1b: {  	[sflag:s11] =	ssyncset.done $0x0  }
0x1c: {  	s18 =	sadd.s32 s17, s7;
	[sflag:s11] =	ssyncadd.s32 $0xFFFFD800  }
0x1d: {  	[hbm4b:s18+s3] =	stream.linear.scatter [tilespmem:s10], [sflag:$0x2], $0x2800, $0x38;
	[tilespmem:$0x8F80] =	vst v63  }
0x1e: {  	_ =	swait.ge [sflag:s8], $0x2800  }
0x1f: {  	[sflag:s8] =	ssyncset.done $0x0  }
0x20: {  	[sflag:s8] =	ssyncadd.s32 $0xFFFFD800  }
0x21: {  	v2 =	vld [tilespmem:s16+$0x0];
	_ =	sdelay $0x7  }
0x22: {  	[tilespmem:v2+s12+$0x0] =	vst.idx.add.f32.msk $0xffff, v1  }
0x23: {  	v2 =	vld [tilespmem:s16+$0x10];
	_ =	sdelay $0x7  }
0x24: {  	[tilespmem:v2+s12+$0x0] =	vst.idx.add.f32.msk $0xffff, v1  }
0x25: {  	v2 =	vld [tilespmem:s16+$0x20];
	_ =	sdelay $0x7  }
0x26: {  	[tilespmem:v2+s12+$0x0] =	vst.idx.add.f32.msk $0xffff, v1  }
0x27: {  	v2 =	vld [tilespmem:s16+$0x30];
	_ =	sdelay $0x7  }
0x28: {  	[tilespmem:v2+s12+$0x0] =	vst.idx.add.f32.msk $0xffff, v1  }
0x29: {  	v2 =	vld [tilespmem:s16+$0x40];
	_ =	sdelay $0x2  }
0x2a: {  	p0 =	sne.s32 s17, $0x26C00  }
.Ltmp1:
0x2b: {  	_ = 	snop;
	(pc) =	sbr.rel @p0 .LBB2_4-.Ltmp1, $2  }
0x2c: {  	_ =	sdelay $0x2  }
0x2d: {  	s17 =	sadd.s32 $0x500, s17;
	s16 =	sadd.s32 $0x80, s16;
	[tilespmem:v2+s12+$0x0] =	vst.idx.add.f32.msk $0xffff, v1  }
0x2e: {  	s15 =	sadd.s32 $0x1, s15  }
0x2f: {  	p0 =	sne.s32 s15, s6  }
.Ltmp2:
0x30: {  	_ = 	snop;
	(pc) =	sbr.rel @p0 .LBB2_1-.Ltmp2, $4  }
0x31: {  	[hbm4b:s5+s13] =	stream.strided.scatter [tilespmem:s12], [sflag:$0x2], $0x2780, s14, s13, $0x38;
	[tilespmem:$0x8F80] =	vst v63  }
0x32: {  	_ =	swait.ge [sflag:s8], $0x2780  }
0x33: {  	[sflag:s8] =	ssyncset.done $0x0  }
0x34: {  	[sflag:s8] =	ssyncadd.s32 $0xFFFFD880  }
0x35: {  	_ =	sfence.sel $0x180000  }
0x36: {  	[bflag:$0x0] =	sbarrier.arrive $0xFFFF  }
0x37: {  	p0 =	sne.s32 s0, $0x0;
	_ =	strace $0x90000047  }
0x38: {  	s0 =	sadd.s32 @!p0 $0x100000, s2;
	[bflag:$0x2] =	sbarrier.arrive $0xFFFF  }
0x39: {  	[sflag:s0] =	ssyncadd.tile.s32 @!p0 $0x1;
	_ =	shalt  }
.Lfunc_end2:
_tile_overlayer_lowered:
.L_overlay_start_2:
0x3a: {  	(tag) =	ssettag $0x2  }
0x3b: {  	s0 =	rddreg [dreg:$0x0];
	s2 =	stileid.u32  }
0x3c: {  	s1 =	rddreg [dreg:$0x1];
	p0 =	sne.s32 s2, $0x0  }
0x3d: {  	s3 =	rddreg [dreg:$0x2];
	[bflag:$0x3] =	sbarrier.arrive $0xFFFF;
	s2 =	simm.s32 @!p0 $0x1C02  }
0x3e: {  	[timem:s3], [sflag:s2] =	dma.local @!p0 [hbm:s0], s1  }
0x3f: {  	s0 =	simm.s32 @!p0 $0x2  }
0x40: {  	_ =	swait.ge @!p0 [sflag:s0], s1  }
0x41: {  	s1 =	ssub.s32 @!p0 $0x0, s1;
	[sflag:s0] =	ssyncset.done @!p0 $0x0  }
0x42: {  	[sflag:s0] =	ssyncadd.s32 @!p0 s1  }
0x43: {  	[bflag:$0x3] =	sbarrier.arrive $0xFFFF  }
0x44: {  	_ =	shalt  }

// kernel: kernel.13.cloned.1.call-start
scs
__scs_entry_jumppad:
0x0: {  	(pc) =	sbr.rel $0x88, $3  }
0x1: {  	(tag) =	ssettag $0x0;
	lr =	simm.s32 $0x1  }
0x2: {  	[smem:$0x3F86] =	sst lr;
	_ =	strace $0xD0000000  }
0x3: {  	_ = 	snop  }
0x4: {  	_ = 	snop  }
0x5: {  	_ = 	snop  }
0x6: {  	_ = 	snop  }
0x7: {  	_ = 	snop  }
__scs_overlays_trampoline_lowered:
0x8: {  	[smem:$0x3F95] =	sst s0  }
0x9: {  	[smem:$0x3F96] =	sst s1  }
0xa: {  	[smem:$0x3F97] =	sst s2  }
0xb: {  	[smem:$0x3F98] =	sst s3  }
0xc: {  	[smem:$0x3F99] =	sst s4  }
0xd: {  	[smem:$0x3F9A] =	sst s5  }
0xe: {  	[smem:$0x3F9B] =	sst s6  }
0xf: {  	[smem:$0x3F9C] =	sst s7  }
0x10: {  	[smem:$0x3F9D] =	sst s8  }
0x11: {  	[smem:$0x3F9E] =	sst s9;
	s0 =	simm.s32 @!p0 $0x0  }
0x12: {  	s1 =	sld [smem:$0x3F84];
	s0 =	simm.s32 @p0 $0x1  }
0x13: {  	[smem:$0x3F9F] =	sst s0;
	s0 =	simm.s32 @!p1 $0x0  }
0x14: {  	s2 =	sld [smem:$0x3F83];
	s0 =	simm.s32 @p1 $0x1  }
0x15: {  	[smem:$0x3FA0] =	sst s0;
	s0 =	simm.s32 @!p2 $0x0  }
0x16: {  	s3 =	sld [smem:$0x3FDB];
	s0 =	simm.s32 @p2 $0x1  }
0x17: {  	s4 =	simm.s32 $0x1BF5;
	[smem:$0x3FA2] =	sst s0  }
0x18: {  	s0 =	sld [smem:$0x3F85];
	_ =	swait.ge [sflag:s4], $0x0  }
0x19: {  	s7 =	sld [smem:$0x3F86]  }
0x1a: {  	s8 =	sadd.s32 $0xFFFFE003, lr  }
0x1b: {  	s9 =	sadd.s32 $0xFFFFFEF7, lr;
	s5 =	simm.s32 $0xFFFFFFFF;
	p2 =	slt.u32 s8, $0xFFFFF086  }
0x1c: {  	p1 =	slt.u32 s9, $0xF7A;
	s5 =	simm.s32 @!p2 $0x0  }
0x1d: {  	s5 =	simm.s32 @p1 $0x1;
	p0 =	seq.s32 s7, s2  }
0x1e: {  	s7 =	smul.u32 @!p0 $0xF7A, s2;
	p2 =	seq.s32 @!p0 s5, $0x0  }
0x1f: {  	s9 =	smul.u32 $0xF7A, s1;
	s8 =	simm.s32 @!p0 $0x1BF5;
	p2 =	por !p2, p0  }
0x20: {  	[sflag:s8] =	ssyncset.s32 @!p0 $0xFFFFF086;
	s6 =	sadd.s32 @!p0 s3, s7;
	s7 =	simm.s32 @!p0 $0x108  }
0x21: {  	s3 =	sadd.s32 s3, s9;
	s6 =	sadd.s32 @!p0 $0x88, s6;
	s7 =	simm.s32 @p2 $0x1082  }
0x22: {  	[simem:s7], [sflag:s8] =	dma.local @!p0 [hbm:s6], $0xF7A  }
0x23: {  	s9 =	sor.u32 $0xD0000000, s2;
	s6 =	simm.s32 $0x108;
	_ =	swait.ge @!p0 [sflag:s8], $0x0  }
0x24: {  	s3 =	sadd.s32 $0x88, s3;
	s6 =	simm.s32 @!p1 $0x1082;
	[sflag:s4] =	ssyncset.s32 $0xFFFFF086  }
0x25: {  	[simem:s6], [sflag:s4] =	dma.local [hbm:s3], $0xF7A  }
0x26: {  	[smem:$0x3F86] =	sst s1;
	(tag) =	ssettag s2;
	_ =	strace s9  }
0x27: {  	s1 =	sld [smem:$0x3F96]  }
0x28: {  	s2 =	sld [smem:$0x3F97]  }
0x29: {  	s4 =	sld [smem:$0x3F99]  }
0x2a: {  	p0 =	seq.s32 s5, $0x0;
	s5 =	sld [smem:$0x3F9A]  }
0x2b: {  	s6 =	sld [smem:$0x3F9B]  }
0x2c: {  	s7 =	sld [smem:$0x3F9C]  }
0x2d: {  	s3 =	simm.s32 $0x108;
	s8 =	sld [smem:$0x3F9D]  }
0x2e: {  	s3 =	simm.s32 @!p0 $0x1082;
	s9 =	sld [smem:$0x3F9E]  }
0x2f: {  	lr =	sadd.s32 s0, s3;
	s0 =	sld [smem:$0x3F95]  }
0x30: {  	s3 =	sld [smem:$0x3F98]  }
0x31: {  	[smem:$0x3FA1] =	sst s10  }
0x32: {  	s10 =	sld [smem:$0x3F9F];
	_ =	sdelay $0x3  }
0x33: {  	p0 =	seq.s32 s10, $0x1;
	s10 =	sld [smem:$0x3FA1];
	_ =	sdelay $0x3  }
0x34: {  	[smem:$0x3FA1] =	sst s10  }
0x35: {  	s10 =	sld [smem:$0x3FA0];
	_ =	sdelay $0x3  }
0x36: {  	p1 =	seq.s32 s10, $0x1;
	s10 =	sld [smem:$0x3FA1];
	_ =	sdelay $0x3  }
0x37: {  	[smem:$0x3FA1] =	sst s10  }
0x38: {  	s10 =	sld [smem:$0x3FA2]  }
0x39: {  	_ = 	snop;
	(pc) =	sbr.ind lr, $3  }
0x3a: {  	_ = 	snop  }
0x3b: {  	_ = 	snop  }
0x3c: {  	p2 =	seq.s32 s10, $0x1;
	s10 =	sld [smem:$0x3FA1]  }
0x3d: {  	_ =	shalt  }
0x3e: {  	_ =	shalt  }
0x3f: {  	_ =	shalt  }
0x40: {  	_ =	shalt  }
0x41: {  	_ =	shalt  }
0x42: {  	_ =	shalt  }
0x43: {  	_ =	shalt  }
0x44: {  	_ =	shalt  }
0x45: {  	_ =	shalt  }
0x46: {  	_ =	shalt  }
0x47: {  	_ =	shalt  }
0x48: {  	_ =	shalt  }
0x49: {  	_ =	shalt  }
0x4a: {  	_ =	shalt  }
0x4b: {  	_ =	shalt  }
0x4c: {  	_ =	shalt  }
0x4d: {  	_ =	shalt  }
0x4e: {  	_ =	shalt  }
0x4f: {  	_ =	shalt  }
0x50: {  	_ =	shalt  }
0x51: {  	_ =	shalt  }
0x52: {  	_ =	shalt  }
0x53: {  	_ =	shalt  }
0x54: {  	_ =	shalt  }
0x55: {  	_ =	shalt  }
0x56: {  	_ =	shalt  }
0x57: {  	_ =	shalt  }
0x58: {  	_ =	shalt  }
0x59: {  	_ =	shalt  }
0x5a: {  	_ =	shalt  }
0x5b: {  	_ =	shalt  }
0x5c: {  	_ =	shalt  }
0x5d: {  	_ =	shalt  }
0x5e: {  	_ =	shalt  }
0x5f: {  	_ =	shalt  }
0x60: {  	_ =	shalt  }
0x61: {  	_ =	shalt  }
0x62: {  	_ =	shalt  }
0x63: {  	_ =	shalt  }
0x64: {  	_ =	shalt  }
0x65: {  	_ =	shalt  }
0x66: {  	_ =	shalt  }
0x67: {  	_ =	shalt  }
0x68: {  	_ =	shalt  }
0x69: {  	_ =	shalt  }
0x6a: {  	_ =	shalt  }
0x6b: {  	_ =	shalt  }
0x6c: {  	_ =	shalt  }
0x6d: {  	_ =	shalt  }
0x6e: {  	_ =	shalt  }
0x6f: {  	_ =	shalt  }
0x70: {  	_ =	shalt  }
0x71: {  	_ =	shalt  }
0x72: {  	_ =	shalt  }
0x73: {  	_ =	shalt  }
0x74: {  	_ =	shalt  }
0x75: {  	_ =	shalt  }
0x76: {  	_ =	shalt  }
0x77: {  	_ =	shalt  }
0x78: {  	_ =	shalt  }
0x79: {  	_ =	shalt  }
0x7a: {  	_ =	shalt  }
0x7b: {  	_ =	shalt  }
0x7c: {  	_ =	shalt  }
0x7d: {  	_ =	shalt  }
0x7e: {  	_ =	shalt  }
0x7f: {  	_ =	shalt  }
0x80: {  	_ =	shalt  }
0x81: {  	_ =	shalt  }
0x82: {  	_ =	shalt  }
0x83: {  	_ =	shalt  }
0x84: {  	_ =	shalt  }
0x85: {  	_ =	shalt  }
0x86: {  	_ =	shalt  }
0x87: {  	_ =	shalt  }
.Lfunc_end0:
.L_simem_size_0:
called_computation.1_lowered:
.L_overlay_start_0:
0x88: {  	s2 =	sld [smem:$0x3FD9]  }
0x89: {  	s3 =	sld [smem:$0x3FFE];
	_ =	sdelay $0x1  }
0x8a: {  	s1 =	srdreg.scid  }
0x8b: {  	s0 =	sand.u32 $0x1, s1  }
0x8c: {  	s17 =	sshll.u32 s0, $0xA;
	s2 =	sadd.s32 s3, s2  }
0x8d: {  	s2 =	sadd.s32 s2, s17  }
0x8e: {  	[smem:$0x3FAD] =	sst s2  }
0x8f: {  	_ = 	snop  }
0x90: {  	s2 =	sld [smem:$0x3FD0];
	(tm) =	ssettm $0x1  }
0x91: {  	s18 =	sld [smem:$0x3FFB];
	_ =	sdelay $0x3  }
0x92: {  	_ =	strace s18  }
0x93: {  	s3 =	sld [smem:$0x3FFC];
	_ =	sdelay $0x3  }
0x94: {  	_ =	strace s3  }
0x95: {  	s3 =	sld [smem:$0x3FFD];
	_ =	sdelay $0x3  }
0x96: {  	_ =	strace s3  }
0x97: {  	_ =	strace $0x8FFFFFFF  }
0x98: {  	s19 =	sld [smem:$0x3FDB];
	_ =	sdelay $0x1  }
0x99: {  	s4 =	simm.s32 $_scs_section_size  }
0x9a: {  	s5 =	simm.s32 $_size__tile_overlayer_lowered;
	s6 =	simm.s32 $_tile_overlayer_lowered  }
0x9b: {  	s22 =	simm.s32 $0x1BFF;
	s21 =	sshll.u32 s6, $0x1;
	s3 =	sadd.s32 s4, s19  }
0x9c: {  	s7 =	simm.s32 $0x0;
	s20 =	sshll.u32 s5, $0x1;
	s5 =	sadd.s32 s21, s3  }
0x9d: {  	[timem:s7], [sflag:s22] =	dma.local [hbm:s5], s20  }
0x9e: {  	_ =	swait.ge [sflag:s22], s20  }
0x9f: {  	s4 =	ssub.s32 $0x0, s20;
	[sflag:s22] =	ssyncset.done $0x0  }
0xa0: {  	[sflag:s22] =	ssyncadd.s32 s4;
	_ =	sdelay $0x1  }
0xa1: {  	s23 =	simm.s32 $0x1B8B  }
0xa2: {  	_ =	swait.ge [sflag:s23], $0x1  }
0xa3: {  	[sflag:s23] =	ssyncset.done $0x0  }
0xa4: {  	s25 =	simm.s32 $0x1B8E;
	s24 =	sld [smem:$0x3FFE];
	[sflag:s23] =	ssyncadd.s32 $0xFFFFFFFF  }
0xa5: {  	s26 =	simm.s32 $execute0_lowered;
	[smem:$0x3FD2] =	sst s25  }
0xa6: {  	s5 =	sshll.u32 s26, $0x1;
	_ =	strace $0x80000049;
	[dreg:$0x1] =	wrdreg $0xFFFFFFFF  }
0xa7: {  	s28 =	simm.s32 $_size_execute0_lowered;
	s3 =	sadd.s32 s3, s5;
	[dreg:$0x0] =	wrdreg $0x0  }
0xa8: {  	s5 =	sshll.u32 s28, $0x1;
	[dreg:$0x2] =	wrdreg s3  }
0xa9: {  	[dreg:$0x3] =	wrdreg s5  }
0xaa: {  	[dreg:$0x4] =	wrdreg $0xC0  }
0xab: {  	_ =	task [dreg:s7], $0x5FFFF  }
0xac: {  	[dreg:$0x1] =	wrdreg $0xFFFFFFFF  }
0xad: {  	[dreg:$0x0] =	wrdreg $0x60  }
0xae: {  	[dreg:$0x2] =	wrdreg s24  }
0xaf: {  	[dreg:$0x3] =	wrdreg s2  }
0xb0: {  	[dreg:$0x4] =	wrdreg $0x90000  }
0xb1: {  	[dreg:$0x5] =	wrdreg $0x9  }
0xb2: {  	_ =	task.clear_ibuf [dreg:s7], $0x6FFFF;
	_ =	strace $0x90000049  }
0xb3: {  	s29 =	simm.s32 $0x9;
	_ =	strace $0x8000004B  }
0xb4: {  	_ =	swait.ge [sflag:s29], $0x1  }
0xb5: {  	[sflag:s29] =	ssyncadd.s32 $0xFFFFFFFF  }
0xb6: {  	_ =	strace $0x9000004B  }
0xb7: {  	_ =	sfence  }
0xb8: {  	s30 =	sld [smem:$0x0];
	_ =	sdelay $0x2  }
0xb9: {  	s31 =	sshll.u32 s1, $0xD;
	s1 =	sshrl.u32 s1, $0x2  }
0xba: {  	s3 =	sand.u32 $0x4000, s31;
	s1 =	sadd.s32 s1, s30  }
0xbb: {  	s0 =	sor.u32 s3, s0;
	s1 =	sshll.u32 s1, $0x11  }
0xbc: {  	s0 =	sor.u32 s1, s0  }
0xbd: {  	s0 =	sadd.s32 $0x8F2B, s0  }
0xbe: {  	[sflag:s0] =	ssyncadd.remote.s32 $0x1  }
0xbf: {  	_ =	sfence.sel $0xFFFF  }
0xc0: {  	[dreg:$0x0] =	wrdreg $0xFFFFFFFF;
	(pc) =	sbr.abs _section_cstart, $3  }
0xc1: {  	[dreg:$0x1] =	wrdreg $0xFFFFFFFF  }
0xc2: {  	_ =	task.clear_ibuf [dreg:s7], $0x2FFFF;
	_ =	strace $0x9FFFFFFF  }
0xc3: {  	(tm) =	ssettm $0x7FFFFFFF  }
tec
execute0_lowered:
.L_overlay_start_1:
0x0: {  	(tag) =	ssettag $0x1  }
0x1: {  	s4 =	rddreg [dreg:$0x0]  }
0x2: {  	s1 =	rddreg [dreg:$0x1]  }
0x3: {  	s2 =	rddreg [dreg:$0x2]  }
0x4: {  	s0 =	rddreg [dreg:$0x3]  }
0x5: {  	s18 =	stileid.u32;
	s5 =	srdreg.scid  }
0x6: {  	s3 =	simm.s32 $0x0;
	s13 =	simm.s32 $0x50;
	s14 =	simm.s32 $0x4000  }
0x7: {  	s15 =	simm.s32 $0x6880;
	s16 =	simm.s32 $0x80;
	s17 =	simm.s32 $0x400  }
0x8: {  	s20 =	simm.s32 $0x0;
	s6 =	smul.u32 $0x4E200, s18;
	s5 =	sand.u32 $0x1, s5  }
0x9: {  	[smem:$0x7FF] =	sst s3;
	s7 =	sshll.u32 s18, $0x1;
	s9 =	smul.u32 $0x3E80, s18  }
0xa: {  	s10 =	sshrl.u32 s18, $0x2;
	s28 =	smul.u32 $0x7D000, s18;
	p0 =	sne.s32 s18, $0x0  }
0xb: {  	p1 =	sgt.u32 s18, $0x9;
	s8 =	smul.u32 $0x27100, s5;
	s7 =	sor.u32 s5, s7  }
0xc: {  	_ =	strace $0x8000004A;
	s10 =	smul.u32 $0x13C00, s10;
	s5 =	ssub.s32 $0x2, s5  }
0xd: {  	s18 =	sshll.u32 @!p1 s18, $0x6;
	s11 =	sshll.u32 s7, $0x7;
	s12 =	sadd.s32 s6, s4  }
0xe: {  	s25 =	sshll.u32 s7, $0xB;
	s29 =	sshrl.u32 s5, $0x1;
	s31 =	sshrl.u32 s28, $0x2  }
0xf: {  	s18 =	sor.u32 @!p1 $0x1C02, s18;
	s26 =	sand.u32 $0x380, s11;
	s6 =	sadd.s32 s25, s4  }
0x10: {  	s9 =	sadd.s32 s9, s8;
	s30 =	ssub.s32 s5, s29;
	s19 =	sadd.s32 s31, s2  }
0x11: {  	s8 =	sadd.s32 s8, s12;
	s11 =	simm.s32 $0x4080;
	s12 =	simm.s32 $0x1  }
0x12: {  	s7 =	sor.u32 s10, s26;
	s9 =	sadd.s32 s9, s4;
	s8 =	sadd.s32 $0x5800, s8  }
0x13: {  	s10 =	simm.s32 $0x2;
	s19 =	sshrl.u32 @!p1 s19, $0x3;
	s7 =	sshrl.u32 s7, $0x3  }
0x14: {  	s7 =	sadd.s32 s7, s4;
	s4 =	sadd.s32 $0x9D3200, s6;
	s6 =	sadd.s32 $0x4F1600, s9  }
0x15: {  	v0 =	vimm.f32 $0.0e+00;
	v1 =	vimm.f32 $1.000000000e+00;
	s9 =	sshrl.u32 @!p0 s2, $0x3;
	s5 =	sadd.s32 $0x4E7800, s7;
	s7 =	smax.u32 s30, $0x1  }
.LBB2_1:
0x16: {  	s21 =	simm.s32 @!p0 $0x1C02  }
0x17: {  	[spmem:s9], [sflag:s21] =	dma.local @!p0 [hbm:s1], $0x27100  }
0x18: {  	s21 =	simm.s32 @!p0 $0x2  }
0x19: {  	_ =	swait.ge @!p0 [sflag:s21], $0x27100  }
0x1a: {  	[sflag:s21] =	ssyncset.done @!p0 $0x0  }
0x1b: {  	[sflag:s21] =	ssyncadd.s32 @!p0 $0xFFFD8F00  }
0x1c: {  	[bflag:$0x0] =	sbarrier.arrive $0xFFFF  }
0x1d: {  	[tilespmem:s3], [sflag:$0x2] =	stream.linear.gather [hbm4b:s4+s3], $0x3E80, $0x38;
	[tilespmem:$0x1C880] =	vst v63  }
0x1e: {  	_ =	swait.ge [sflag:s10], $0x3E80  }
0x1f: {  	[sflag:s10] =	ssyncset.done $0x0  }
0x20: {  	s21 =	simm.s32 $0x0;
	[sflag:s10] =	ssyncadd.s32 $0xFFFFC180  }
.LBB2_2:
0x21: {  	p2 =	sne.s32 s21, $0x9C00  }
.Ltmp0:
0x22: {  	_ = 	snop;
	(pc) =	sbr.rel @p2 .LBB2_2-.Ltmp0, $3  }
0x23: {  	_ =	sdelay $0x1  }
0x24: {  	s22 =	sshra.s32 s21, $0x2  }
0x25: {  	s21 =	sadd.s32 $0x40, s21;
	[tilespmem:s22+$0x6880] =	vst v0  }
0x26: {  	s21 =	simm.s32 $0x0;
	s22 =	simm.s32 $0x20  }
.LBB2_4:
0x27: {  	v2 =	vld [tilespmem:s22+$0xFFFFFFE0];
	_ =	sdelay $0x4  }
0x28: {  	[tilespmem:$0x4000] =	vst v2  }
0x29: {  	v2 =	vld [tilespmem:s22+$0xFFFFFFF0];
	_ =	sdelay $0x4  }
0x2a: {  	[tilespmem:$0x4010] =	vst v2  }
0x2b: {  	v2 =	vld [tilespmem:s22+$0x0];
	_ =	sdelay $0x4  }
0x2c: {  	[tilespmem:$0x4020] =	vst v2  }
0x2d: {  	v2 =	vld [tilespmem:s22+$0x10];
	_ =	sdelay $0x4  }
0x2e: {  	[tilespmem:$0x4030] =	vst v2  }
0x2f: {  	v2 =	vld [tilespmem:s22+$0x20];
	_ =	sdelay $0x4  }
0x30: {  	s23 =	sadd.s32 s21, s8;
	[tilespmem:$0x4040] =	vst v2  }
0x31: {  	[tilespmem:s11], [sflag:$0x1] =	stream.linear.gather [hbm4b:s23+s3], $0x2800, $0x38;
	[tilespmem:$0x1C880] =	vst v63  }
0x32: {  	_ =	swait.ge [sflag:s12], $0x2800  }
0x33: {  	[sflag:s12] =	ssyncset.done $0x0  }
0x34: {  	[sflag:s12] =	ssyncadd.s32 $0xFFFFD800  }
0x35: {  	[spmem:s2] =	stream.indirect.scatter.add.f32 [tilespmem:s11], [sflag:$0x2], $0x80, s14, s13, $0xb8;
	[tilespmem:$0x1C880] =	vst v63  }
0x36: {  	_ =	swait.ge [sflag:s10], $0x2800  }
0x37: {  	[sflag:s10] =	ssyncset.done $0x0  }
0x38: {  	[sflag:s10] =	ssyncadd.s32 $0xFFFFD800  }
0x39: {  	v2 =	vld [tilespmem:s22+$0xFFFFFFE0];
	_ =	sdelay $0x7  }
0x3a: {  	[tilespmem:v2+s15+$0x0] =	vst.idx.add.f32.msk $0xffff, v1  }
0x3b: {  	v2 =	vld [tilespmem:s22+$0xFFFFFFF0];
	_ =	sdelay $0x7  }
0x3c: {  	[tilespmem:v2+s15+$0x0] =	vst.idx.add.f32.msk $0xffff, v1  }
0x3d: {  	v2 =	vld [tilespmem:s22+$0x0];
	_ =	sdelay $0x7  }
0x3e: {  	[tilespmem:v2+s15+$0x0] =	vst.idx.add.f32.msk $0xffff, v1  }
0x3f: {  	v2 =	vld [tilespmem:s22+$0x10];
	_ =	sdelay $0x7  }
0x40: {  	[tilespmem:v2+s15+$0x0] =	vst.idx.add.f32.msk $0xffff, v1  }
0x41: {  	v2 =	vld [tilespmem:s22+$0x20];
	_ =	sdelay $0x2  }
0x42: {  	p2 =	sne.s32 s21, $0x26C00  }
.Ltmp1:
0x43: {  	_ = 	snop;
	(pc) =	sbr.rel @p2 .LBB2_4-.Ltmp1, $2  }
0x44: {  	_ =	sdelay $0x2  }
0x45: {  	s21 =	sadd.s32 $0x500, s21;
	s22 =	sadd.s32 $0x80, s22;
	[tilespmem:v2+s15+$0x0] =	vst.idx.add.f32.msk $0xffff, v1  }
0x46: {  	[hbm4b:s5+s16] =	stream.strided.scatter [tilespmem:s15], [sflag:$0x2], $0x2780, s17, s16, $0x38;
	[tilespmem:$0x1C880] =	vst v63  }
0x47: {  	_ =	swait.ge [sflag:s10], $0x2780  }
0x48: {  	s20 =	sadd.s32 $0x1, s20;
	[sflag:s10] =	ssyncset.done $0x0  }
0x49: {  	p2 =	sne.s32 s20, s7;
	[sflag:s10] =	ssyncadd.s32 $0xFFFFD880  }
.Ltmp2:
0x4a: {  	s21 =	simm.s32 @!p1 $0x2;
	[bflag:$0x0] =	sbarrier.arrive $0xFFFF;
	(pc) =	sbr.rel @p2 .LBB2_1-.Ltmp2, $4  }
0x4b: {  	[hbm:s6], [sflag:s18] =	dma.local @!p1 [spmem:s19], $0x3E80  }
0x4c: {  	_ =	swait.ge @!p1 [sflag:s21], $0x3E80  }
0x4d: {  	[sflag:s21] =	ssyncset.done @!p1 $0x0  }
0x4e: {  	[sflag:s21] =	ssyncadd.s32 @!p1 $0xFFFFC180  }
0x4f: {  	_ =	sfence.sel $0x180000  }
0x50: {  	[bflag:$0x0] =	sbarrier.arrive $0xFFFF  }
0x51: {  	_ =	strace $0x9000004A  }
0x52: {  	s0 =	sadd.s32 @!p0 $0x100000, s0;
	[bflag:$0x2] =	sbarrier.arrive $0xFFFF  }
0x53: {  	[sflag:s0] =	ssyncadd.tile.s32 @!p0 $0x1;
	_ =	shalt  }
.Lfunc_end2:
_tile_overlayer_lowered:
.L_overlay_start_2:
0x54: {  	(tag) =	ssettag $0x2  }
0x55: {  	s0 =	rddreg [dreg:$0x0];
	s2 =	stileid.u32  }
0x56: {  	s1 =	rddreg [dreg:$0x1];
	p0 =	sne.s32 s2, $0x0  }
0x57: {  	s3 =	rddreg [dreg:$0x2];
	[bflag:$0x3] =	sbarrier.arrive $0xFFFF;
	s2 =	simm.s32 @!p0 $0x1C02  }
0x58: {  	[timem:s3], [sflag:s2] =	dma.local @!p0 [hbm:s0], s1  }
0x59: {  	s0 =	simm.s32 @!p0 $0x2  }
0x5a: {  	_ =	swait.ge @!p0 [sflag:s0], s1  }
0x5b: {  	s1 =	ssub.s32 @!p0 $0x0, s1;
	[sflag:s0] =	ssyncset.done @!p0 $0x0  }
0x5c: {  	[sflag:s0] =	ssyncadd.s32 @!p0 s1  }
0x5d: {  	[bflag:$0x3] =	sbarrier.arrive $0xFFFF  }
0x5e: {  	_ =	shalt  }

</sc_bundles>
